<compile_context>
chip_gen: v7x
topology: tpu7x:2x2x1
jax: 0.10.2.dev20260603
libtpu: 0.0.44.dev20260713+nightly
codegen_flags: <defaults>
</compile_context>

<pallas_src>
import functools

import jax
import jax.numpy as jnp
from jax import lax
from jax.experimental import pallas as pl
from jax.experimental.pallas import tpu as pltpu
from jax.experimental.pallas import tpu_sc as plsc

_LN2 = 0.6931471805599453
_FMAX = 3.4028235e38


def _neg_log(v):
    bits = lax.bitcast_convert_type(v, jnp.int32)
    e = ((bits >> 23) & 0xFF) - 127
    mb = (bits & 0x007FFFFF) | 0x3F800000
    m = lax.bitcast_convert_type(mb, jnp.float32)
    big = m > 1.4142135
    m = jnp.where(big, m * 0.5, m)
    ef = e.astype(jnp.float32) + jnp.where(big, 1.0, 0.0)
    z = (m - 1.0) / (m + 1.0)
    z2 = z * z
    p = 1.0 + z2 * (1.0 / 3.0 + z2 * (0.2 + z2 * (1.0 / 7.0 + z2 * (1.0 / 9.0))))
    return -(ef * _LN2 + 2.0 * z * p)


def kernel(predictions, image_grids, target_boxes_grid):
    B, H, W = predictions.shape
    HW = H * W
    x3 = jnp.transpose(predictions, (1, 2, 0))
    grids_t = jnp.transpose(image_grids, (0, 3, 4, 1, 2))

    L = 16
    LG = 128
    NK = LG // L
    NPG = 4
    QPG = HW // NPG
    APG = 4
    G2T = (W // 8) * 8
    G2O = W - G2T
    G2N = (W + 1) - G2T

    mesh = plsc.VectorSubcoreMesh(core_axis_name="c", subcore_axis_name="s")

    @functools.partial(
        pl.kernel,
        mesh=mesh,
        out_type=jax.ShapeDtypeStruct((16, 128), jnp.float32),
        scratch_types=[
            pltpu.VMEM((APG, W, LG), jnp.float32),
            pltpu.VMEM((APG, W, G2N, LG), jnp.int32),
            pltpu.VMEM((8, LG), jnp.float32),
            pltpu.VMEM_SHARED((16, 8, LG), jnp.float32),
            pltpu.VMEM((NPG, 8, LG), jnp.float32),
            pltpu.VMEM_SHARED((8, 128), jnp.float32),
            pltpu.VMEM((8, 128), jnp.float32),
            pltpu.VMEM((L,), jnp.float32),
            pltpu.VMEM((8, 128), jnp.float32),
            pltpu.SemaphoreType.DMA,
            pltpu.SemaphoreType.DMA,
        ],
    )
    def sck(x_hbm, g_hbm, out_hbm, xv, gv, part, shared, red, shared2, red2,
            outv, outb, sem1, sem2):
        cid = lax.axis_index("c")
        sid = lax.axis_index("s")
        pg = sid // NPG
        lg = sid % NPG
        lane0 = pl.multiple_of((cid * NPG + lg) * LG, LG)
        q0 = pg * QPG
        a_lo = q0 // W

        cpx = pltpu.make_async_copy(
            x_hbm.at[pl.ds(a_lo, APG), :, pl.ds(lane0, LG)], xv, sem1)
        cpg = pltpu.make_async_copy(
            g_hbm.at[H, pl.ds(a_lo, APG), :, pl.ds(G2T, G2N), pl.ds(lane0, LG)],
            gv, sem2)
        cpx.start()
        cpg.start()
        cpx.wait()
        cpg.wait()

        zeros = jnp.zeros((L,), jnp.float32)

        def body(j, carry):
            q = q0 + j
            a = q // W - a_lo
            b = q % W
            nxt = []
            for k in range(NK):
                s_pm, cnt, s_p = carry[k]
                x = xv[a, b, pl.ds(k * L, L)]
                mm = gv[a, b, G2O, pl.ds(k * L, L)].astype(jnp.float32)
                nxt.append((s_pm + x * mm, cnt + mm, s_p + x))
            return tuple(nxt)

        accs = lax.fori_loop(
            0, QPG, body, tuple((zeros, zeros, zeros) for _ in range(NK))
        )
        for k in range(NK):
            part[0, pl.ds(k * L, L)] = accs[k][0]
            part[1, pl.ds(k * L, L)] = accs[k][1]
            part[2, pl.ds(k * L, L)] = accs[k][2]
        pltpu.sync_copy(part, shared.at[sid])
        plsc.subcore_barrier()

        @pl.when(sid < NPG)
        def _():
            for kk in range(NPG):
                pltpu.sync_copy(shared.at[kk * NPG + sid], red.at[kk])

            def cbody(k, contrib):
                o = pl.multiple_of(k * L, L)
                s_pm = zeros
                cnt = zeros
                s_p = zeros
                for kk in range(NPG):
                    s_pm = s_pm + red[kk, 0, pl.ds(o, L)]
                    cnt = cnt + red[kk, 1, pl.ds(o, L)]
                    s_p = s_p + red[kk, 2, pl.ds(o, L)]
                mean_t = s_pm / cnt
                lt = jnp.where(mean_t > 0.0, _neg_log(mean_t), jnp.inf)
                mean_b = (s_p - s_pm) / (float(HW) - cnt)
                arg = 1.0 - mean_b
                lb = jnp.where(
                    arg > 0.0, _neg_log(arg), jnp.where(arg == 0.0, _FMAX, 0.0)
                )
                return contrib + lt + lb

            contrib = lax.fori_loop(0, NK, cbody, zeros)
            outv[...] = contrib * (1.0 / B)
            pltpu.sync_copy(outv, shared2.at[sid, pl.ds(0, L)])

        plsc.subcore_barrier()

        @pl.when(sid == 0)
        def _():
            pltpu.sync_copy(shared2, red2)
            tot = (
                red2[0, pl.ds(0, L)]
                + red2[1, pl.ds(0, L)]
                + red2[2, pl.ds(0, L)]
                + red2[3, pl.ds(0, L)]
            )
            n = L
            while n > 1:
                n //= 2
                idx = (lax.iota(jnp.int32, L) + n) % L
                rot = lax.gather(
                    tot,
                    idx[:, None],
                    lax.GatherDimensionNumbers(
                        offset_dims=(),
                        collapsed_slice_dims=(0,),
                        start_index_map=(0,),
                    ),
                    slice_sizes=(1,),
                    mode=lax.GatherScatterMode.PROMISE_IN_BOUNDS,
                )
                tot = tot + rot
            outb[0, pl.ds(0, L)] = tot
            row0 = pl.multiple_of(cid * 8, 8)
            pltpu.sync_copy(outb, out_hbm.at[pl.ds(row0, 8), :])

    out = sck(x3, grids_t)
    return out[0, 0] + out[8, 0]

# --- scband reference (transcript-rebuilt; emitter-appended) ---
"""Pipeline reference for scband-image-grid-network-loss-16372415332866 (READ-ONLY COPY).

The authoritative reference and input builder live on the scoring server;
editing this copy changes nothing except your own understanding.
"""

import jax, jax.numpy as jnp
import numpy as np


def setup_inputs(seed: int = 0) -> dict:
    key = jax.random.key(seed)
    k1, k2, k3 = jax.random.split(key, 3)
    B, H, W = 1024, 14, 14
    predictions = jax.random.uniform(k1, (B, H, W), dtype=jnp.float32)
    # In the original torch module, image_grids is a dict keyed by the spatial
    # grid shape: image_grids[tuple(predictions.size()[1:])] == image_grids[(H, W)].
    # We emulate the dict with a tensor of shape [H+1, W+1, B, H, W] so that
    # indexing with the tuple (H, W) selects the [B, H, W] grid tensor.
    image_grids = jax.random.randint(k2, (H + 1, W + 1, B, H, W), 0, 2).astype(jnp.int32)
    target_boxes_grid = jax.random.randint(k3, (B, 4, 4), 0, H).astype(jnp.int64)
    return {"predictions": predictions, "image_grids": image_grids, "target_boxes_grid": target_boxes_grid}


def reference(predictions, image_grids, target_boxes_grid):
    # predictions: [B, H, W] in (0, 1); image_grids[(H, W)] -> binary [B, H, W]
    H, W = predictions.shape[1], predictions.shape[2]
    grid = image_grids[H, W]  # emulates dict lookup image_grids[(H, W)]
    m = grid.astype(predictions.dtype)  # 1.0 where target, 0.0 where background
    # loss_target[b] = -log(mean(prediction[b][mask_b]))
    cnt_t = jnp.sum(m, axis=(1, 2))
    mean_t = jnp.sum(predictions * m, axis=(1, 2)) / cnt_t
    loss_target = -jnp.log(mean_t)
    # loss_background[b] = nan_to_num(-log(1 - mean(prediction[b][~mask_b])))
    inv = 1.0 - m
    cnt_b = jnp.sum(inv, axis=(1, 2))
    mean_b = jnp.sum(predictions * inv, axis=(1, 2)) / cnt_b
    loss_background = jnp.nan_to_num(-jnp.log(1.0 - mean_b))
    loss = jnp.mean(loss_background, axis=0) + jnp.mean(loss_target, axis=0)
    return loss

if __name__ == "__main__":
    import jax
    _d = setup_inputs()
    print(jax.jit(kernel)(*tuple(_d.values())))

</pallas_src>

<mosaic_0001>
#map = affine_map<(d0, d1) -> (0, 0, 0)>
#map1 = affine_map<(d0, d1) -> (0, 0, 0, 0, 0)>
#map2 = affine_map<(d0, d1) -> (0, 0)>
module attributes {stable_mosaic.version = 14 : i64} {
  func.func @sck(%arg0: i32, %arg1: i32, %arg2: memref<14x14x1024xf32, #tpu.memory_space<hbm>>, %arg3: memref<15x14x14x15x1024xi32, #tpu.memory_space<hbm>>, %arg4: memref<16x128xf32, #tpu.memory_space<hbm>>, %arg5: memref<4x14x128xf32, #tpu.memory_space<vmem>>, %arg6: memref<4x14x7x128xi32, #tpu.memory_space<vmem>>, %arg7: memref<8x128xf32, #tpu.memory_space<vmem>>, %arg8: memref<16x8x128xf32, #tpu.memory_space<vmem_shared>>, %arg9: memref<4x8x128xf32, #tpu.memory_space<vmem>>, %arg10: memref<8x128xf32, #tpu.memory_space<vmem_shared>>, %arg11: memref<8x128xf32, #tpu.memory_space<vmem>>, %arg12: memref<16xf32, #tpu.memory_space<vmem>>, %arg13: memref<8x128xf32, #tpu.memory_space<vmem>>, %arg14: memref<!tpu.dma_semaphore, #tpu.memory_space<semaphore_mem>>, %arg15: memref<!tpu.dma_semaphore, #tpu.memory_space<semaphore_mem>>) attributes {dimension_semantics = [#tpu.dimension_semantics<core_parallel>, #tpu.dimension_semantics<subcore_parallel>], iteration_bounds = array<i64: 2, 16>, scalar_prefetch = 0 : i64, scratch_operands = 11 : i64, tpu.core_type = #tpu.core_type<sc_vector_subcore>, window_params = [{transform_indices = #map}, {transform_indices = #map1}, {transform_indices = #map2}]} {
    %jit3A = arith.constant 4 : i32
    %div3A = arith.divsi %arg1, %jit3A : i32
    %sign3A = arith.constant 0 : i32
    %sign3A_0 = arith.cmpi sgt, %arg1, %sign3A : i32
    %sign3A_1 = arith.extui %sign3A_0 : i1 to i32
    %sign3A_2 = arith.constant 0 : i32
    %sign3A_3 = arith.cmpi slt, %arg1, %sign3A_2 : i32
    %sign3A_4 = arith.extui %sign3A_3 : i1 to i32
    %sign3A_5 = arith.subi %sign3A_1, %sign3A_4 : i32
    %sign3A_6 = arith.constant 0 : i32
    %sign3A_7 = arith.cmpi sgt, %jit3A, %sign3A_6 : i32
    %sign3A_8 = arith.extui %sign3A_7 : i1 to i32
    %sign3A_9 = arith.constant 0 : i32
    %sign3A_10 = arith.cmpi slt, %jit3A, %sign3A_9 : i32
    %sign3A_11 = arith.extui %sign3A_10 : i1 to i32
    %sign3A_12 = arith.subi %sign3A_8, %sign3A_11 : i32
    %ne3A = arith.cmpi ne, %sign3A_5, %sign3A_12 : i32
    %rem3A = arith.remsi %arg1, %jit3A : i32
    %ne3A_13 = arith.constant 0 : i32
    %ne3A_14 = arith.cmpi ne, %rem3A, %ne3A_13 : i32
    %and3A = arith.andi %ne3A, %ne3A_14 : i1
    %sub3A = arith.constant 1 : i32
    %sub3A_15 = arith.subi %div3A, %sub3A : i32
    %select_n3A = arith.select %and3A, %sub3A_15, %div3A : i32
    %jit3A_16 = arith.constant 4 : i32
    %eq3A = arith.constant 0 : i32
    %eq3A_17 = arith.cmpi eq, %jit3A_16, %eq3A : i32
    %jit3A_18 = arith.constant 1 : i32
    %select_n3A_19 = arith.select %eq3A_17, %jit3A_18, %jit3A_16 : i32
    %rem3A_20 = arith.remsi %arg1, %select_n3A_19 : i32
    %ne3A_21 = arith.constant 0 : i32
    %ne3A_22 = arith.cmpi ne, %rem3A_20, %ne3A_21 : i32
    %lt3A = arith.constant 0 : i32
    %lt3A_23 = arith.cmpi slt, %rem3A_20, %lt3A : i32
    %lt3A_24 = arith.constant 0 : i32
    %lt3A_25 = arith.cmpi slt, %select_n3A_19, %lt3A_24 : i32
    %ne3A_26 = arith.xori %lt3A_23, %lt3A_25 : i1
    %and3A_27 = arith.andi %ne3A_26, %ne3A_22 : i1
    %add3A = arith.addi %rem3A_20, %select_n3A_19 : i32
    %select_n3A_28 = arith.select %and3A_27, %add3A, %rem3A_20 : i32
    %mul3A = arith.constant 4 : i32
    %mul3A_29 = arith.muli %arg0, %mul3A : i32
    %add3A_30 = arith.addi %mul3A_29, %select_n3A_28 : i32
    %mul3A_31 = arith.constant 128 : i32
    %mul3A_32 = arith.muli %add3A_30, %mul3A_31 : i32
    %multiple_of3A = tpu.assume_multiple %mul3A_32, 128 : i32
    %mul3A_33 = arith.constant 49 : i32
    %mul3A_34 = arith.muli %select_n3A, %mul3A_33 : i32
    %jit3A_35 = arith.constant 14 : i32
    %div3A_36 = arith.divsi %mul3A_34, %jit3A_35 : i32
    %sign3A_37 = arith.constant 0 : i32
    %sign3A_38 = arith.cmpi sgt, %mul3A_34, %sign3A_37 : i32
    %sign3A_39 = arith.extui %sign3A_38 : i1 to i32
    %sign3A_40 = arith.constant 0 : i32
    %sign3A_41 = arith.cmpi slt, %mul3A_34, %sign3A_40 : i32
    %sign3A_42 = arith.extui %sign3A_41 : i1 to i32
    %sign3A_43 = arith.subi %sign3A_39, %sign3A_42 : i32
    %sign3A_44 = arith.constant 0 : i32
    %sign3A_45 = arith.cmpi sgt, %jit3A_35, %sign3A_44 : i32
    %sign3A_46 = arith.extui %sign3A_45 : i1 to i32
    %sign3A_47 = arith.constant 0 : i32
    %sign3A_48 = arith.cmpi slt, %jit3A_35, %sign3A_47 : i32
    %sign3A_49 = arith.extui %sign3A_48 : i1 to i32
    %sign3A_50 = arith.subi %sign3A_46, %sign3A_49 : i32
    %ne3A_51 = arith.cmpi ne, %sign3A_43, %sign3A_50 : i32
    %rem3A_52 = arith.remsi %mul3A_34, %jit3A_35 : i32
    %ne3A_53 = arith.constant 0 : i32
    %ne3A_54 = arith.cmpi ne, %rem3A_52, %ne3A_53 : i32
    %and3A_55 = arith.andi %ne3A_51, %ne3A_54 : i1
    %sub3A_56 = arith.constant 1 : i32
    %sub3A_57 = arith.subi %div3A_36, %sub3A_56 : i32
    %select_n3A_58 = arith.select %and3A_55, %sub3A_57, %div3A_36 : i32
    %dma_start3A = arith.constant 0 : i32
    %dma_start3A_59 = tpu.memref_slice %arg2[%select_n3A_58, %dma_start3A, %multiple_of3A] : memref<14x14x1024xf32, #tpu.memory_space<hbm>> -> memref<4x14x128xf32, #tpu.memory_space<hbm>>
    %dma_start3A_60 = arith.constant 0 : i32
    %dma_start3A_61 = tpu.memref_slice %arg2[%select_n3A_58, %dma_start3A_60, %multiple_of3A] : memref<14x14x1024xf32, #tpu.memory_space<hbm>> -> memref<4x14x128xf32, #tpu.memory_space<hbm>>
    tpu.enqueue_dma source(%dma_start3A_61 : memref<4x14x128xf32, #tpu.memory_space<hbm>>) target(%arg5 : memref<4x14x128xf32, #tpu.memory_space<vmem>>) target_semaphore(%arg14 : memref<!tpu.dma_semaphore, #tpu.memory_space<semaphore_mem>>)
    %dma_start3A_62 = arith.constant 14 : i32
    %dma_start3A_63 = arith.constant 0 : i32
    %dma_start3A_64 = arith.constant 8 : i32
    %dma_start3A_65 = tpu.memref_slice %arg3[%dma_start3A_62, %select_n3A_58, %dma_start3A_63, %dma_start3A_64, %multiple_of3A] : memref<15x14x14x15x1024xi32, #tpu.memory_space<hbm>> -> memref<1x4x14x7x128xi32, #tpu.memory_space<hbm>>
    %dma_start3A_66 = tpu.memref_squeeze %dma_start3A_65 : memref<1x4x14x7x128xi32, #tpu.memory_space<hbm>> -> memref<4x14x7x128xi32, #tpu.memory_space<hbm>>
    %dma_start3A_67 = arith.constant 0 : i32
    %dma_start3A_68 = arith.constant 8 : i32
    %dma_start3A_69 = tpu.memref_slice %arg3[%dma_start3A_62, %select_n3A_58, %dma_start3A_67, %dma_start3A_68, %multiple_of3A] : memref<15x14x14x15x1024xi32, #tpu.memory_space<hbm>> -> memref<1x4x14x7x128xi32, #tpu.memory_space<hbm>>
    %dma_start3A_70 = tpu.memref_squeeze %dma_start3A_69 : memref<1x4x14x7x128xi32, #tpu.memory_space<hbm>> -> memref<4x14x7x128xi32, #tpu.memory_space<hbm>>
    tpu.enqueue_dma source(%dma_start3A_70 : memref<4x14x7x128xi32, #tpu.memory_space<hbm>>) target(%arg6 : memref<4x14x7x128xi32, #tpu.memory_space<vmem>>) target_semaphore(%arg15 : memref<!tpu.dma_semaphore, #tpu.memory_space<semaphore_mem>>)
    %dma_wait3A = arith.constant 0 : i32
    %dma_wait3A_71 = tpu.memref_slice %arg2[%select_n3A_58, %dma_wait3A, %multiple_of3A] : memref<14x14x1024xf32, #tpu.memory_space<hbm>> -> memref<4x14x128xf32, #tpu.memory_space<hbm>>
    %dma_wait3A_72 = arith.constant 0 : i32
    %dma_wait3A_73 = tpu.memref_slice %arg2[%select_n3A_58, %dma_wait3A_72, %multiple_of3A] : memref<14x14x1024xf32, #tpu.memory_space<hbm>> -> memref<4x14x128xf32, #tpu.memory_space<hbm>>
    tpu.wait_dma2 semaphore(%arg14 : memref<!tpu.dma_semaphore, #tpu.memory_space<semaphore_mem>>) src(%dma_wait3A_73 : memref<4x14x128xf32, #tpu.memory_space<hbm>>) dst(%arg5 : memref<4x14x128xf32, #tpu.memory_space<vmem>>)
    %dma_wait3A_74 = arith.constant 14 : i32
    %dma_wait3A_75 = arith.constant 0 : i32
    %dma_wait3A_76 = arith.constant 8 : i32
    %dma_wait3A_77 = tpu.memref_slice %arg3[%dma_wait3A_74, %select_n3A_58, %dma_wait3A_75, %dma_wait3A_76, %multiple_of3A] : memref<15x14x14x15x1024xi32, #tpu.memory_space<hbm>> -> memref<1x4x14x7x128xi32, #tpu.memory_space<hbm>>
    %dma_wait3A_78 = tpu.memref_squeeze %dma_wait3A_77 : memref<1x4x14x7x128xi32, #tpu.memory_space<hbm>> -> memref<4x14x7x128xi32, #tpu.memory_space<hbm>>
    %dma_wait3A_79 = arith.constant 0 : i32
    %dma_wait3A_80 = arith.constant 8 : i32
    %dma_wait3A_81 = tpu.memref_slice %arg3[%dma_wait3A_74, %select_n3A_58, %dma_wait3A_79, %dma_wait3A_80, %multiple_of3A] : memref<15x14x14x15x1024xi32, #tpu.memory_space<hbm>> -> memref<1x4x14x7x128xi32, #tpu.memory_space<hbm>>
    %dma_wait3A_82 = tpu.memref_squeeze %dma_wait3A_81 : memref<1x4x14x7x128xi32, #tpu.memory_space<hbm>> -> memref<4x14x7x128xi32, #tpu.memory_space<hbm>>
    tpu.wait_dma2 semaphore(%arg15 : memref<!tpu.dma_semaphore, #tpu.memory_space<semaphore_mem>>) src(%dma_wait3A_82 : memref<4x14x7x128xi32, #tpu.memory_space<hbm>>) dst(%arg6 : memref<4x14x7x128xi32, #tpu.memory_space<vmem>>)
    %broadcast_in_dim3A = arith.constant 0.000000e+00 : f32
    %broadcast_in_dim3A_83 = vector.broadcast %broadcast_in_dim3A : f32 to vector<16xf32>
    %scan3A = arith.constant 0 : i32
    %scan3A_84 = arith.constant 49 : i32
    %scan3A_85 = arith.addi %scan3A, %scan3A_84 : i32
    %scan3A_86 = arith.constant 1 : i32
    %scan3A_87:24 = scf.for %scan3A_241 = %scan3A to %scan3A_85 step %scan3A_86 iter_args(%scan3A_242 = %broadcast_in_dim3A_83, %scan3A_243 = %broadcast_in_dim3A_83, %scan3A_244 = %broadcast_in_dim3A_83, %scan3A_245 = %broadcast_in_dim3A_83, %scan3A_246 = %broadcast_in_dim3A_83, %scan3A_247 = %broadcast_in_dim3A_83, %scan3A_248 = %broadcast_in_dim3A_83, %scan3A_249 = %broadcast_in_dim3A_83, %scan3A_250 = %broadcast_in_dim3A_83, %scan3A_251 = %broadcast_in_dim3A_83, %scan3A_252 = %broadcast_in_dim3A_83, %scan3A_253 = %broadcast_in_dim3A_83, %scan3A_254 = %broadcast_in_dim3A_83, %scan3A_255 = %broadcast_in_dim3A_83, %scan3A_256 = %broadcast_in_dim3A_83, %scan3A_257 = %broadcast_in_dim3A_83, %scan3A_258 = %broadcast_in_dim3A_83, %scan3A_259 = %broadcast_in_dim3A_83, %scan3A_260 = %broadcast_in_dim3A_83, %scan3A_261 = %broadcast_in_dim3A_83, %scan3A_262 = %broadcast_in_dim3A_83, %scan3A_263 = %broadcast_in_dim3A_83, %scan3A_264 = %broadcast_in_dim3A_83, %scan3A_265 = %broadcast_in_dim3A_83) -> (vector<16xf32>, vector<16xf32>, vector<16xf32>, vector<16xf32>, vector<16xf32>, vector<16xf32>, vector<16xf32>, vector<16xf32>, vector<16xf32>, vector<16xf32>, vector<16xf32>, vector<16xf32>, vector<16xf32>, vector<16xf32>, vector<16xf32>, vector<16xf32>, vector<16xf32>, vector<16xf32>, vector<16xf32>, vector<16xf32>, vector<16xf32>, vector<16xf32>, vector<16xf32>, vector<16xf32>)  : i32 {
      %add3A_266 = arith.addi %mul3A_34, %scan3A_241 : i32
      %jit3A_267 = arith.constant 14 : i32
      %div3A_268 = arith.divsi %add3A_266, %jit3A_267 : i32
      %sign3A_269 = arith.constant 0 : i32
      %sign3A_270 = arith.cmpi sgt, %add3A_266, %sign3A_269 : i32
      %sign3A_271 = arith.extui %sign3A_270 : i1 to i32
      %sign3A_272 = arith.constant 0 : i32
      %sign3A_273 = arith.cmpi slt, %add3A_266, %sign3A_272 : i32
      %sign3A_274 = arith.extui %sign3A_273 : i1 to i32
      %sign3A_275 = arith.subi %sign3A_271, %sign3A_274 : i32
      %sign3A_276 = arith.constant 0 : i32
      %sign3A_277 = arith.cmpi sgt, %jit3A_267, %sign3A_276 : i32
      %sign3A_278 = arith.extui %sign3A_277 : i1 to i32
      %sign3A_279 = arith.constant 0 : i32
      %sign3A_280 = arith.cmpi slt, %jit3A_267, %sign3A_279 : i32
      %sign3A_281 = arith.extui %sign3A_280 : i1 to i32
      %sign3A_282 = arith.subi %sign3A_278, %sign3A_281 : i32
      %ne3A_283 = arith.cmpi ne, %sign3A_275, %sign3A_282 : i32
      %rem3A_284 = arith.remsi %add3A_266, %jit3A_267 : i32
      %ne3A_285 = arith.constant 0 : i32
      %ne3A_286 = arith.cmpi ne, %rem3A_284, %ne3A_285 : i32
      %and3A_287 = arith.andi %ne3A_283, %ne3A_286 : i1
      %sub3A_288 = arith.constant 1 : i32
      %sub3A_289 = arith.subi %div3A_268, %sub3A_288 : i32
      %select_n3A_290 = arith.select %and3A_287, %sub3A_289, %div3A_268 : i32
      %sub3A_291 = arith.subi %select_n3A_290, %select_n3A_58 : i32
      %jit3A_292 = arith.constant 14 : i32
      %eq3A_293 = arith.constant 0 : i32
      %eq3A_294 = arith.cmpi eq, %jit3A_292, %eq3A_293 : i32
      %jit3A_295 = arith.constant 1 : i32
      %select_n3A_296 = arith.select %eq3A_294, %jit3A_295, %jit3A_292 : i32
      %rem3A_297 = arith.remsi %add3A_266, %select_n3A_296 : i32
      %ne3A_298 = arith.constant 0 : i32
      %ne3A_299 = arith.cmpi ne, %rem3A_297, %ne3A_298 : i32
      %lt3A_300 = arith.constant 0 : i32
      %lt3A_301 = arith.cmpi slt, %rem3A_297, %lt3A_300 : i32
      %lt3A_302 = arith.constant 0 : i32
      %lt3A_303 = arith.cmpi slt, %select_n3A_296, %lt3A_302 : i32
      %ne3A_304 = arith.xori %lt3A_301, %lt3A_303 : i1
      %and3A_305 = arith.andi %ne3A_304, %ne3A_299 : i1
      %add3A_306 = arith.addi %rem3A_297, %select_n3A_296 : i32
      %select_n3A_307 = arith.select %and3A_305, %add3A_306, %rem3A_297 : i32
      %get3A = arith.index_cast %sub3A_291 : i32 to index
      %get3A_308 = arith.index_cast %select_n3A_307 : i32 to index
      %get3A_309 = arith.constant 0 : index
      %get3A_310 = tpu.vector_load %arg5[%get3A, %get3A_308, %get3A_309] {strides = array<i32>} : memref<4x14x128xf32, #tpu.memory_space<vmem>>, vector<1x1x16xf32>,
      %get3A_311 = vector.shape_cast %get3A_310 : vector<1x1x16xf32> to vector<16xf32>
      %get3A_312 = arith.constant 6 : i32
      %get3A_313 = arith.index_cast %sub3A_291 : i32 to index
      %get3A_314 = arith.index_cast %select_n3A_307 : i32 to index
      %get3A_315 = arith.index_cast %get3A_312 : i32 to index
      %get3A_316 = arith.constant 0 : index
      %get3A_317 = tpu.vector_load %arg6[%get3A_313, %get3A_314, %get3A_315, %get3A_316] {strides = array<i32>} : memref<4x14x7x128xi32, #tpu.memory_space<vmem>>, vector<1x1x1x16xi32>,
      %get3A_318 = vector.shape_cast %get3A_317 : vector<1x1x1x16xi32> to vector<16xi32>
      %convert_element_type3A_319 = arith.sitofp %get3A_318 : vector<16xi32> to vector<16xf32>
      %mul3A_320 = arith.mulf %get3A_311, %convert_element_type3A_319 : vector<16xf32>
      %add3A_321 = arith.addf %scan3A_242, %mul3A_320 : vector<16xf32>
      %add3A_322 = arith.addf %scan3A_243, %convert_element_type3A_319 : vector<16xf32>
      %add3A_323 = arith.addf %scan3A_244, %get3A_311 : vector<16xf32>
      %get3A_324 = arith.index_cast %sub3A_291 : i32 to index
      %get3A_325 = arith.index_cast %select_n3A_307 : i32 to index
      %get3A_326 = arith.constant 16 : index
      %get3A_327 = tpu.vector_load %arg5[%get3A_324, %get3A_325, %get3A_326] {strides = array<i32>} : memref<4x14x128xf32, #tpu.memory_space<vmem>>, vector<1x1x16xf32>,
      %get3A_328 = vector.shape_cast %get3A_327 : vector<1x1x16xf32> to vector<16xf32>
      %get3A_329 = arith.constant 6 : i32
      %get3A_330 = arith.index_cast %sub3A_291 : i32 to index
      %get3A_331 = arith.index_cast %select_n3A_307 : i32 to index
      %get3A_332 = arith.index_cast %get3A_329 : i32 to index
      %get3A_333 = arith.constant 16 : index
      %get3A_334 = tpu.vector_load %arg6[%get3A_330, %get3A_331, %get3A_332, %get3A_333] {strides = array<i32>} : memref<4x14x7x128xi32, #tpu.memory_space<vmem>>, vector<1x1x1x16xi32>,
      %get3A_335 = vector.shape_cast %get3A_334 : vector<1x1x1x16xi32> to vector<16xi32>
      %convert_element_type3A_336 = arith.sitofp %get3A_335 : vector<16xi32> to vector<16xf32>
      %mul3A_337 = arith.mulf %get3A_328, %convert_element_type3A_336 : vector<16xf32>
      %add3A_338 = arith.addf %scan3A_245, %mul3A_337 : vector<16xf32>
      %add3A_339 = arith.addf %scan3A_246, %convert_element_type3A_336 : vector<16xf32>
      %add3A_340 = arith.addf %scan3A_247, %get3A_328 : vector<16xf32>
      %get3A_341 = arith.index_cast %sub3A_291 : i32 to index
      %get3A_342 = arith.index_cast %select_n3A_307 : i32 to index
      %get3A_343 = arith.constant 32 : index
      %get3A_344 = tpu.vector_load %arg5[%get3A_341, %get3A_342, %get3A_343] {strides = array<i32>} : memref<4x14x128xf32, #tpu.memory_space<vmem>>, vector<1x1x16xf32>,
      %get3A_345 = vector.shape_cast %get3A_344 : vector<1x1x16xf32> to vector<16xf32>
      %get3A_346 = arith.constant 6 : i32
      %get3A_347 = arith.index_cast %sub3A_291 : i32 to index
      %get3A_348 = arith.index_cast %select_n3A_307 : i32 to index
      %get3A_349 = arith.index_cast %get3A_346 : i32 to index
      %get3A_350 = arith.constant 32 : index
      %get3A_351 = tpu.vector_load %arg6[%get3A_347, %get3A_348, %get3A_349, %get3A_350] {strides = array<i32>} : memref<4x14x7x128xi32, #tpu.memory_space<vmem>>, vector<1x1x1x16xi32>,
      %get3A_352 = vector.shape_cast %get3A_351 : vector<1x1x1x16xi32> to vector<16xi32>
      %convert_element_type3A_353 = arith.sitofp %get3A_352 : vector<16xi32> to vector<16xf32>
      %mul3A_354 = arith.mulf %get3A_345, %convert_element_type3A_353 : vector<16xf32>
      %add3A_355 = arith.addf %scan3A_248, %mul3A_354 : vector<16xf32>
      %add3A_356 = arith.addf %scan3A_249, %convert_element_type3A_353 : vector<16xf32>
      %add3A_357 = arith.addf %scan3A_250, %get3A_345 : vector<16xf32>
      %get3A_358 = arith.index_cast %sub3A_291 : i32 to index
      %get3A_359 = arith.index_cast %select_n3A_307 : i32 to index
      %get3A_360 = arith.constant 48 : index
      %get3A_361 = tpu.vector_load %arg5[%get3A_358, %get3A_359, %get3A_360] {strides = array<i32>} : memref<4x14x128xf32, #tpu.memory_space<vmem>>, vector<1x1x16xf32>,
      %get3A_362 = vector.shape_cast %get3A_361 : vector<1x1x16xf32> to vector<16xf32>
      %get3A_363 = arith.constant 6 : i32
      %get3A_364 = arith.index_cast %sub3A_291 : i32 to index
      %get3A_365 = arith.index_cast %select_n3A_307 : i32 to index
      %get3A_366 = arith.index_cast %get3A_363 : i32 to index
      %get3A_367 = arith.constant 48 : index
      %get3A_368 = tpu.vector_load %arg6[%get3A_364, %get3A_365, %get3A_366, %get3A_367] {strides = array<i32>} : memref<4x14x7x128xi32, #tpu.memory_space<vmem>>, vector<1x1x1x16xi32>,
      %get3A_369 = vector.shape_cast %get3A_368 : vector<1x1x1x16xi32> to vector<16xi32>
      %convert_element_type3A_370 = arith.sitofp %get3A_369 : vector<16xi32> to vector<16xf32>
      %mul3A_371 = arith.mulf %get3A_362, %convert_element_type3A_370 : vector<16xf32>
      %add3A_372 = arith.addf %scan3A_251, %mul3A_371 : vector<16xf32>
      %add3A_373 = arith.addf %scan3A_252, %convert_element_type3A_370 : vector<16xf32>
      %add3A_374 = arith.addf %scan3A_253, %get3A_362 : vector<16xf32>
      %get3A_375 = arith.index_cast %sub3A_291 : i32 to index
      %get3A_376 = arith.index_cast %select_n3A_307 : i32 to index
      %get3A_377 = arith.constant 64 : index
      %get3A_378 = tpu.vector_load %arg5[%get3A_375, %get3A_376, %get3A_377] {strides = array<i32>} : memref<4x14x128xf32, #tpu.memory_space<vmem>>, vector<1x1x16xf32>,
      %get3A_379 = vector.shape_cast %get3A_378 : vector<1x1x16xf32> to vector<16xf32>
      %get3A_380 = arith.constant 6 : i32
      %get3A_381 = arith.index_cast %sub3A_291 : i32 to index
      %get3A_382 = arith.index_cast %select_n3A_307 : i32 to index
      %get3A_383 = arith.index_cast %get3A_380 : i32 to index
      %get3A_384 = arith.constant 64 : index
      %get3A_385 = tpu.vector_load %arg6[%get3A_381, %get3A_382, %get3A_383, %get3A_384] {strides = array<i32>} : memref<4x14x7x128xi32, #tpu.memory_space<vmem>>, vector<1x1x1x16xi32>,
      %get3A_386 = vector.shape_cast %get3A_385 : vector<1x1x1x16xi32> to vector<16xi32>
      %convert_element_type3A_387 = arith.sitofp %get3A_386 : vector<16xi32> to vector<16xf32>
      %mul3A_388 = arith.mulf %get3A_379, %convert_element_type3A_387 : vector<16xf32>
      %add3A_389 = arith.addf %scan3A_254, %mul3A_388 : vector<16xf32>
      %add3A_390 = arith.addf %scan3A_255, %convert_element_type3A_387 : vector<16xf32>
      %add3A_391 = arith.addf %scan3A_256, %get3A_379 : vector<16xf32>
      %get3A_392 = arith.index_cast %sub3A_291 : i32 to index
      %get3A_393 = arith.index_cast %select_n3A_307 : i32 to index
      %get3A_394 = arith.constant 80 : index
      %get3A_395 = tpu.vector_load %arg5[%get3A_392, %get3A_393, %get3A_394] {strides = array<i32>} : memref<4x14x128xf32, #tpu.memory_space<vmem>>, vector<1x1x16xf32>,
      %get3A_396 = vector.shape_cast %get3A_395 : vector<1x1x16xf32> to vector<16xf32>
      %get3A_397 = arith.constant 6 : i32
      %get3A_398 = arith.index_cast %sub3A_291 : i32 to index
      %get3A_399 = arith.index_cast %select_n3A_307 : i32 to index
      %get3A_400 = arith.index_cast %get3A_397 : i32 to index
      %get3A_401 = arith.constant 80 : index
      %get3A_402 = tpu.vector_load %arg6[%get3A_398, %get3A_399, %get3A_400, %get3A_401] {strides = array<i32>} : memref<4x14x7x128xi32, #tpu.memory_space<vmem>>, vector<1x1x1x16xi32>,
      %get3A_403 = vector.shape_cast %get3A_402 : vector<1x1x1x16xi32> to vector<16xi32>
      %convert_element_type3A_404 = arith.sitofp %get3A_403 : vector<16xi32> to vector<16xf32>
      %mul3A_405 = arith.mulf %get3A_396, %convert_element_type3A_404 : vector<16xf32>
      %add3A_406 = arith.addf %scan3A_257, %mul3A_405 : vector<16xf32>
      %add3A_407 = arith.addf %scan3A_258, %convert_element_type3A_404 : vector<16xf32>
      %add3A_408 = arith.addf %scan3A_259, %get3A_396 : vector<16xf32>
      %get3A_409 = arith.index_cast %sub3A_291 : i32 to index
      %get3A_410 = arith.index_cast %select_n3A_307 : i32 to index
      %get3A_411 = arith.constant 96 : index
      %get3A_412 = tpu.vector_load %arg5[%get3A_409, %get3A_410, %get3A_411] {strides = array<i32>} : memref<4x14x128xf32, #tpu.memory_space<vmem>>, vector<1x1x16xf32>,
      %get3A_413 = vector.shape_cast %get3A_412 : vector<1x1x16xf32> to vector<16xf32>
      %get3A_414 = arith.constant 6 : i32
      %get3A_415 = arith.index_cast %sub3A_291 : i32 to index
      %get3A_416 = arith.index_cast %select_n3A_307 : i32 to index
      %get3A_417 = arith.index_cast %get3A_414 : i32 to index
      %get3A_418 = arith.constant 96 : index
      %get3A_419 = tpu.vector_load %arg6[%get3A_415, %get3A_416, %get3A_417, %get3A_418] {strides = array<i32>} : memref<4x14x7x128xi32, #tpu.memory_space<vmem>>, vector<1x1x1x16xi32>,
      %get3A_420 = vector.shape_cast %get3A_419 : vector<1x1x1x16xi32> to vector<16xi32>
      %convert_element_type3A_421 = arith.sitofp %get3A_420 : vector<16xi32> to vector<16xf32>
      %mul3A_422 = arith.mulf %get3A_413, %convert_element_type3A_421 : vector<16xf32>
      %add3A_423 = arith.addf %scan3A_260, %mul3A_422 : vector<16xf32>
      %add3A_424 = arith.addf %scan3A_261, %convert_element_type3A_421 : vector<16xf32>
      %add3A_425 = arith.addf %scan3A_262, %get3A_413 : vector<16xf32>
      %get3A_426 = arith.index_cast %sub3A_291 : i32 to index
      %get3A_427 = arith.index_cast %select_n3A_307 : i32 to index
      %get3A_428 = arith.constant 112 : index
      %get3A_429 = tpu.vector_load %arg5[%get3A_426, %get3A_427, %get3A_428] {strides = array<i32>} : memref<4x14x128xf32, #tpu.memory_space<vmem>>, vector<1x1x16xf32>,
      %get3A_430 = vector.shape_cast %get3A_429 : vector<1x1x16xf32> to vector<16xf32>
      %get3A_431 = arith.constant 6 : i32
      %get3A_432 = arith.index_cast %sub3A_291 : i32 to index
      %get3A_433 = arith.index_cast %select_n3A_307 : i32 to index
      %get3A_434 = arith.index_cast %get3A_431 : i32 to index
      %get3A_435 = arith.constant 112 : index
      %get3A_436 = tpu.vector_load %arg6[%get3A_432, %get3A_433, %get3A_434, %get3A_435] {strides = array<i32>} : memref<4x14x7x128xi32, #tpu.memory_space<vmem>>, vector<1x1x1x16xi32>,
      %get3A_437 = vector.shape_cast %get3A_436 : vector<1x1x1x16xi32> to vector<16xi32>
      %convert_element_type3A_438 = arith.sitofp %get3A_437 : vector<16xi32> to vector<16xf32>
      %mul3A_439 = arith.mulf %get3A_430, %convert_element_type3A_438 : vector<16xf32>
      %add3A_440 = arith.addf %scan3A_263, %mul3A_439 : vector<16xf32>
      %add3A_441 = arith.addf %scan3A_264, %convert_element_type3A_438 : vector<16xf32>
      %add3A_442 = arith.addf %scan3A_265, %get3A_430 : vector<16xf32>
      scf.yield %add3A_321, %add3A_322, %add3A_323, %add3A_338, %add3A_339, %add3A_340, %add3A_355, %add3A_356, %add3A_357, %add3A_372, %add3A_373, %add3A_374, %add3A_389, %add3A_390, %add3A_391, %add3A_406, %add3A_407, %add3A_408, %add3A_423, %add3A_424, %add3A_425, %add3A_440, %add3A_441, %add3A_442 : vector<16xf32>, vector<16xf32>, vector<16xf32>, vector<16xf32>, vector<16xf32>, vector<16xf32>, vector<16xf32>, vector<16xf32>, vector<16xf32>, vector<16xf32>, vector<16xf32>, vector<16xf32>, vector<16xf32>, vector<16xf32>, vector<16xf32>, vector<16xf32>, vector<16xf32>, vector<16xf32>, vector<16xf32>, vector<16xf32>, vector<16xf32>, vector<16xf32>, vector<16xf32>, vector<16xf32>
    }
    %scan3A_88 = arith.constant 49 : i32
    %swap3A = arith.constant 0 : i32
    %swap3A_89 = arith.index_cast %swap3A : i32 to index
    %swap3A_90 = arith.constant 0 : index
    %swap3A_91 = tpu.vector_load %arg7[%swap3A_89, %swap3A_90] {strides = array<i32>} : memref<8x128xf32, #tpu.memory_space<vmem>>, vector<1x16xf32>,
    %swap3A_92 = vector.shape_cast %swap3A_91 : vector<1x16xf32> to vector<16xf32>
    %swap3A_93 = vector.shape_cast %scan3A_87#0 : vector<16xf32> to vector<1x16xf32>
    tpu.vector_store %arg7[%swap3A_89, %swap3A_90], %swap3A_93 {strides = array<i32>} : memref<8x128xf32, #tpu.memory_space<vmem>>, vector<1x16xf32>,
    %swap3A_94 = arith.constant 1 : i32
    %swap3A_95 = arith.index_cast %swap3A_94 : i32 to index
    %swap3A_96 = arith.constant 0 : index
    %swap3A_97 = tpu.vector_load %arg7[%swap3A_95, %swap3A_96] {strides = array<i32>} : memref<8x128xf32, #tpu.memory_space<vmem>>, vector<1x16xf32>,
    %swap3A_98 = vector.shape_cast %swap3A_97 : vector<1x16xf32> to vector<16xf32>
    %swap3A_99 = vector.shape_cast %scan3A_87#1 : vector<16xf32> to vector<1x16xf32>
    tpu.vector_store %arg7[%swap3A_95, %swap3A_96], %swap3A_99 {strides = array<i32>} : memref<8x128xf32, #tpu.memory_space<vmem>>, vector<1x16xf32>,
    %swap3A_100 = arith.constant 2 : i32
    %swap3A_101 = arith.index_cast %swap3A_100 : i32 to index
    %swap3A_102 = arith.constant 0 : index
    %swap3A_103 = tpu.vector_load %arg7[%swap3A_101, %swap3A_102] {strides = array<i32>} : memref<8x128xf32, #tpu.memory_space<vmem>>, vector<1x16xf32>,
    %swap3A_104 = vector.shape_cast %swap3A_103 : vector<1x16xf32> to vector<16xf32>
    %swap3A_105 = vector.shape_cast %scan3A_87#2 : vector<16xf32> to vector<1x16xf32>
    tpu.vector_store %arg7[%swap3A_101, %swap3A_102], %swap3A_105 {strides = array<i32>} : memref<8x128xf32, #tpu.memory_space<vmem>>, vector<1x16xf32>,
    %swap3A_106 = arith.constant 0 : i32
    %swap3A_107 = arith.index_cast %swap3A_106 : i32 to index
    %swap3A_108 = arith.constant 16 : index
    %swap3A_109 = tpu.vector_load %arg7[%swap3A_107, %swap3A_108] {strides = array<i32>} : memref<8x128xf32, #tpu.memory_space<vmem>>, vector<1x16xf32>,
    %swap3A_110 = vector.shape_cast %swap3A_109 : vector<1x16xf32> to vector<16xf32>
    %swap3A_111 = vector.shape_cast %scan3A_87#3 : vector<16xf32> to vector<1x16xf32>
    tpu.vector_store %arg7[%swap3A_107, %swap3A_108], %swap3A_111 {strides = array<i32>} : memref<8x128xf32, #tpu.memory_space<vmem>>, vector<1x16xf32>,
    %swap3A_112 = arith.constant 1 : i32
    %swap3A_113 = arith.index_cast %swap3A_112 : i32 to index
    %swap3A_114 = arith.constant 16 : index
    %swap3A_115 = tpu.vector_load %arg7[%swap3A_113, %swap3A_114] {strides = array<i32>} : memref<8x128xf32, #tpu.memory_space<vmem>>, vector<1x16xf32>,
    %swap3A_116 = vector.shape_cast %swap3A_115 : vector<1x16xf32> to vector<16xf32>
    %swap3A_117 = vector.shape_cast %scan3A_87#4 : vector<16xf32> to vector<1x16xf32>
    tpu.vector_store %arg7[%swap3A_113, %swap3A_114], %swap3A_117 {strides = array<i32>} : memref<8x128xf32, #tpu.memory_space<vmem>>, vector<1x16xf32>,
    %swap3A_118 = arith.constant 2 : i32
    %swap3A_119 = arith.index_cast %swap3A_118 : i32 to index
    %swap3A_120 = arith.constant 16 : index
    %swap3A_121 = tpu.vector_load %arg7[%swap3A_119, %swap3A_120] {strides = array<i32>} : memref<8x128xf32, #tpu.memory_space<vmem>>, vector<1x16xf32>,
    %swap3A_122 = vector.shape_cast %swap3A_121 : vector<1x16xf32> to vector<16xf32>
    %swap3A_123 = vector.shape_cast %scan3A_87#5 : vector<16xf32> to vector<1x16xf32>
    tpu.vector_store %arg7[%swap3A_119, %swap3A_120], %swap3A_123 {strides = array<i32>} : memref<8x128xf32, #tpu.memory_space<vmem>>, vector<1x16xf32>,
    %swap3A_124 = arith.constant 0 : i32
    %swap3A_125 = arith.index_cast %swap3A_124 : i32 to index
    %swap3A_126 = arith.constant 32 : index
    %swap3A_127 = tpu.vector_load %arg7[%swap3A_125, %swap3A_126] {strides = array<i32>} : memref<8x128xf32, #tpu.memory_space<vmem>>, vector<1x16xf32>,
    %swap3A_128 = vector.shape_cast %swap3A_127 : vector<1x16xf32> to vector<16xf32>
    %swap3A_129 = vector.shape_cast %scan3A_87#6 : vector<16xf32> to vector<1x16xf32>
    tpu.vector_store %arg7[%swap3A_125, %swap3A_126], %swap3A_129 {strides = array<i32>} : memref<8x128xf32, #tpu.memory_space<vmem>>, vector<1x16xf32>,
    %swap3A_130 = arith.constant 1 : i32
    %swap3A_131 = arith.index_cast %swap3A_130 : i32 to index
    %swap3A_132 = arith.constant 32 : index
    %swap3A_133 = tpu.vector_load %arg7[%swap3A_131, %swap3A_132] {strides = array<i32>} : memref<8x128xf32, #tpu.memory_space<vmem>>, vector<1x16xf32>,
    %swap3A_134 = vector.shape_cast %swap3A_133 : vector<1x16xf32> to vector<16xf32>
    %swap3A_135 = vector.shape_cast %scan3A_87#7 : vector<16xf32> to vector<1x16xf32>
    tpu.vector_store %arg7[%swap3A_131, %swap3A_132], %swap3A_135 {strides = array<i32>} : memref<8x128xf32, #tpu.memory_space<vmem>>, vector<1x16xf32>,
    %swap3A_136 = arith.constant 2 : i32
    %swap3A_137 = arith.index_cast %swap3A_136 : i32 to index
    %swap3A_138 = arith.constant 32 : index
    %swap3A_139 = tpu.vector_load %arg7[%swap3A_137, %swap3A_138] {strides = array<i32>} : memref<8x128xf32, #tpu.memory_space<vmem>>, vector<1x16xf32>,
    %swap3A_140 = vector.shape_cast %swap3A_139 : vector<1x16xf32> to vector<16xf32>
    %swap3A_141 = vector.shape_cast %scan3A_87#8 : vector<16xf32> to vector<1x16xf32>
    tpu.vector_store %arg7[%swap3A_137, %swap3A_138], %swap3A_141 {strides = array<i32>} : memref<8x128xf32, #tpu.memory_space<vmem>>, vector<1x16xf32>,
    %swap3A_142 = arith.constant 0 : i32
    %swap3A_143 = arith.index_cast %swap3A_142 : i32 to index
    %swap3A_144 = arith.constant 48 : index
    %swap3A_145 = tpu.vector_load %arg7[%swap3A_143, %swap3A_144] {strides = array<i32>} : memref<8x128xf32, #tpu.memory_space<vmem>>, vector<1x16xf32>,
    %swap3A_146 = vector.shape_cast %swap3A_145 : vector<1x16xf32> to vector<16xf32>
    %swap3A_147 = vector.shape_cast %scan3A_87#9 : vector<16xf32> to vector<1x16xf32>
    tpu.vector_store %arg7[%swap3A_143, %swap3A_144], %swap3A_147 {strides = array<i32>} : memref<8x128xf32, #tpu.memory_space<vmem>>, vector<1x16xf32>,
    %swap3A_148 = arith.constant 1 : i32
    %swap3A_149 = arith.index_cast %swap3A_148 : i32 to index
    %swap3A_150 = arith.constant 48 : index
    %swap3A_151 = tpu.vector_load %arg7[%swap3A_149, %swap3A_150] {strides = array<i32>} : memref<8x128xf32, #tpu.memory_space<vmem>>, vector<1x16xf32>,
    %swap3A_152 = vector.shape_cast %swap3A_151 : vector<1x16xf32> to vector<16xf32>
    %swap3A_153 = vector.shape_cast %scan3A_87#10 : vector<16xf32> to vector<1x16xf32>
    tpu.vector_store %arg7[%swap3A_149, %swap3A_150], %swap3A_153 {strides = array<i32>} : memref<8x128xf32, #tpu.memory_space<vmem>>, vector<1x16xf32>,
    %swap3A_154 = arith.constant 2 : i32
    %swap3A_155 = arith.index_cast %swap3A_154 : i32 to index
    %swap3A_156 = arith.constant 48 : index
    %swap3A_157 = tpu.vector_load %arg7[%swap3A_155, %swap3A_156] {strides = array<i32>} : memref<8x128xf32, #tpu.memory_space<vmem>>, vector<1x16xf32>,
    %swap3A_158 = vector.shape_cast %swap3A_157 : vector<1x16xf32> to vector<16xf32>
    %swap3A_159 = vector.shape_cast %scan3A_87#11 : vector<16xf32> to vector<1x16xf32>
    tpu.vector_store %arg7[%swap3A_155, %swap3A_156], %swap3A_159 {strides = array<i32>} : memref<8x128xf32, #tpu.memory_space<vmem>>, vector<1x16xf32>,
    %swap3A_160 = arith.constant 0 : i32
    %swap3A_161 = arith.index_cast %swap3A_160 : i32 to index
    %swap3A_162 = arith.constant 64 : index
    %swap3A_163 = tpu.vector_load %arg7[%swap3A_161, %swap3A_162] {strides = array<i32>} : memref<8x128xf32, #tpu.memory_space<vmem>>, vector<1x16xf32>,
    %swap3A_164 = vector.shape_cast %swap3A_163 : vector<1x16xf32> to vector<16xf32>
    %swap3A_165 = vector.shape_cast %scan3A_87#12 : vector<16xf32> to vector<1x16xf32>
    tpu.vector_store %arg7[%swap3A_161, %swap3A_162], %swap3A_165 {strides = array<i32>} : memref<8x128xf32, #tpu.memory_space<vmem>>, vector<1x16xf32>,
    %swap3A_166 = arith.constant 1 : i32
    %swap3A_167 = arith.index_cast %swap3A_166 : i32 to index
    %swap3A_168 = arith.constant 64 : index
    %swap3A_169 = tpu.vector_load %arg7[%swap3A_167, %swap3A_168] {strides = array<i32>} : memref<8x128xf32, #tpu.memory_space<vmem>>, vector<1x16xf32>,
    %swap3A_170 = vector.shape_cast %swap3A_169 : vector<1x16xf32> to vector<16xf32>
    %swap3A_171 = vector.shape_cast %scan3A_87#13 : vector<16xf32> to vector<1x16xf32>
    tpu.vector_store %arg7[%swap3A_167, %swap3A_168], %swap3A_171 {strides = array<i32>} : memref<8x128xf32, #tpu.memory_space<vmem>>, vector<1x16xf32>,
    %swap3A_172 = arith.constant 2 : i32
    %swap3A_173 = arith.index_cast %swap3A_172 : i32 to index
    %swap3A_174 = arith.constant 64 : index
    %swap3A_175 = tpu.vector_load %arg7[%swap3A_173, %swap3A_174] {strides = array<i32>} : memref<8x128xf32, #tpu.memory_space<vmem>>, vector<1x16xf32>,
    %swap3A_176 = vector.shape_cast %swap3A_175 : vector<1x16xf32> to vector<16xf32>
    %swap3A_177 = vector.shape_cast %scan3A_87#14 : vector<16xf32> to vector<1x16xf32>
    tpu.vector_store %arg7[%swap3A_173, %swap3A_174], %swap3A_177 {strides = array<i32>} : memref<8x128xf32, #tpu.memory_space<vmem>>, vector<1x16xf32>,
    %swap3A_178 = arith.constant 0 : i32
    %swap3A_179 = arith.index_cast %swap3A_178 : i32 to index
    %swap3A_180 = arith.constant 80 : index
    %swap3A_181 = tpu.vector_load %arg7[%swap3A_179, %swap3A_180] {strides = array<i32>} : memref<8x128xf32, #tpu.memory_space<vmem>>, vector<1x16xf32>,
    %swap3A_182 = vector.shape_cast %swap3A_181 : vector<1x16xf32> to vector<16xf32>
    %swap3A_183 = vector.shape_cast %scan3A_87#15 : vector<16xf32> to vector<1x16xf32>
    tpu.vector_store %arg7[%swap3A_179, %swap3A_180], %swap3A_183 {strides = array<i32>} : memref<8x128xf32, #tpu.memory_space<vmem>>, vector<1x16xf32>,
    %swap3A_184 = arith.constant 1 : i32
    %swap3A_185 = arith.index_cast %swap3A_184 : i32 to index
    %swap3A_186 = arith.constant 80 : index
    %swap3A_187 = tpu.vector_load %arg7[%swap3A_185, %swap3A_186] {strides = array<i32>} : memref<8x128xf32, #tpu.memory_space<vmem>>, vector<1x16xf32>,
    %swap3A_188 = vector.shape_cast %swap3A_187 : vector<1x16xf32> to vector<16xf32>
    %swap3A_189 = vector.shape_cast %scan3A_87#16 : vector<16xf32> to vector<1x16xf32>
    tpu.vector_store %arg7[%swap3A_185, %swap3A_186], %swap3A_189 {strides = array<i32>} : memref<8x128xf32, #tpu.memory_space<vmem>>, vector<1x16xf32>,
    %swap3A_190 = arith.constant 2 : i32
    %swap3A_191 = arith.index_cast %swap3A_190 : i32 to index
    %swap3A_192 = arith.constant 80 : index
    %swap3A_193 = tpu.vector_load %arg7[%swap3A_191, %swap3A_192] {strides = array<i32>} : memref<8x128xf32, #tpu.memory_space<vmem>>, vector<1x16xf32>,
    %swap3A_194 = vector.shape_cast %swap3A_193 : vector<1x16xf32> to vector<16xf32>
    %swap3A_195 = vector.shape_cast %scan3A_87#17 : vector<16xf32> to vector<1x16xf32>
    tpu.vector_store %arg7[%swap3A_191, %swap3A_192], %swap3A_195 {strides = array<i32>} : memref<8x128xf32, #tpu.memory_space<vmem>>, vector<1x16xf32>,
    %swap3A_196 = arith.constant 0 : i32
    %swap3A_197 = arith.index_cast %swap3A_196 : i32 to index
    %swap3A_198 = arith.constant 96 : index
    %swap3A_199 = tpu.vector_load %arg7[%swap3A_197, %swap3A_198] {strides = array<i32>} : memref<8x128xf32, #tpu.memory_space<vmem>>, vector<1x16xf32>,
    %swap3A_200 = vector.shape_cast %swap3A_199 : vector<1x16xf32> to vector<16xf32>
    %swap3A_201 = vector.shape_cast %scan3A_87#18 : vector<16xf32> to vector<1x16xf32>
    tpu.vector_store %arg7[%swap3A_197, %swap3A_198], %swap3A_201 {strides = array<i32>} : memref<8x128xf32, #tpu.memory_space<vmem>>, vector<1x16xf32>,
    %swap3A_202 = arith.constant 1 : i32
    %swap3A_203 = arith.index_cast %swap3A_202 : i32 to index
    %swap3A_204 = arith.constant 96 : index
    %swap3A_205 = tpu.vector_load %arg7[%swap3A_203, %swap3A_204] {strides = array<i32>} : memref<8x128xf32, #tpu.memory_space<vmem>>, vector<1x16xf32>,
    %swap3A_206 = vector.shape_cast %swap3A_205 : vector<1x16xf32> to vector<16xf32>
    %swap3A_207 = vector.shape_cast %scan3A_87#19 : vector<16xf32> to vector<1x16xf32>
    tpu.vector_store %arg7[%swap3A_203, %swap3A_204], %swap3A_207 {strides = array<i32>} : memref<8x128xf32, #tpu.memory_space<vmem>>, vector<1x16xf32>,
    %swap3A_208 = arith.constant 2 : i32
    %swap3A_209 = arith.index_cast %swap3A_208 : i32 to index
    %swap3A_210 = arith.constant 96 : index
    %swap3A_211 = tpu.vector_load %arg7[%swap3A_209, %swap3A_210] {strides = array<i32>} : memref<8x128xf32, #tpu.memory_space<vmem>>, vector<1x16xf32>,
    %swap3A_212 = vector.shape_cast %swap3A_211 : vector<1x16xf32> to vector<16xf32>
    %swap3A_213 = vector.shape_cast %scan3A_87#20 : vector<16xf32> to vector<1x16xf32>
    tpu.vector_store %arg7[%swap3A_209, %swap3A_210], %swap3A_213 {strides = array<i32>} : memref<8x128xf32, #tpu.memory_space<vmem>>, vector<1x16xf32>,
    %swap3A_214 = arith.constant 0 : i32
    %swap3A_215 = arith.index_cast %swap3A_214 : i32 to index
    %swap3A_216 = arith.constant 112 : index
    %swap3A_217 = tpu.vector_load %arg7[%swap3A_215, %swap3A_216] {strides = array<i32>} : memref<8x128xf32, #tpu.memory_space<vmem>>, vector<1x16xf32>,
    %swap3A_218 = vector.shape_cast %swap3A_217 : vector<1x16xf32> to vector<16xf32>
    %swap3A_219 = vector.shape_cast %scan3A_87#21 : vector<16xf32> to vector<1x16xf32>
    tpu.vector_store %arg7[%swap3A_215, %swap3A_216], %swap3A_219 {strides = array<i32>} : memref<8x128xf32, #tpu.memory_space<vmem>>, vector<1x16xf32>,
    %swap3A_220 = arith.constant 1 : i32
    %swap3A_221 = arith.index_cast %swap3A_220 : i32 to index
    %swap3A_222 = arith.constant 112 : index
    %swap3A_223 = tpu.vector_load %arg7[%swap3A_221, %swap3A_222] {strides = array<i32>} : memref<8x128xf32, #tpu.memory_space<vmem>>, vector<1x16xf32>,
    %swap3A_224 = vector.shape_cast %swap3A_223 : vector<1x16xf32> to vector<16xf32>
    %swap3A_225 = vector.shape_cast %scan3A_87#22 : vector<16xf32> to vector<1x16xf32>
    tpu.vector_store %arg7[%swap3A_221, %swap3A_222], %swap3A_225 {strides = array<i32>} : memref<8x128xf32, #tpu.memory_space<vmem>>, vector<1x16xf32>,
    %swap3A_226 = arith.constant 2 : i32
    %swap3A_227 = arith.index_cast %swap3A_226 : i32 to index
    %swap3A_228 = arith.constant 112 : index
    %swap3A_229 = tpu.vector_load %arg7[%swap3A_227, %swap3A_228] {strides = array<i32>} : memref<8x128xf32, #tpu.memory_space<vmem>>, vector<1x16xf32>,
    %swap3A_230 = vector.shape_cast %swap3A_229 : vector<1x16xf32> to vector<16xf32>
    %swap3A_231 = vector.shape_cast %scan3A_87#23 : vector<16xf32> to vector<1x16xf32>
    tpu.vector_store %arg7[%swap3A_227, %swap3A_228], %swap3A_231 {strides = array<i32>} : memref<8x128xf32, #tpu.memory_space<vmem>>, vector<1x16xf32>,
    "tpu.region"() ({
      %run_scoped3A = tpu.sem_alloc : memref<!tpu.dma_semaphore, #tpu.memory_space<semaphore_mem>>
      %dma_start3A_241 = arith.constant 0 : i32
      %dma_start3A_242 = arith.constant 0 : i32
      %dma_start3A_243 = tpu.memref_slice %arg8[%arg1, %dma_start3A_241, %dma_start3A_242] : memref<16x8x128xf32, #tpu.memory_space<vmem_shared>> -> memref<1x8x128xf32, #tpu.memory_space<vmem_shared>>
      %dma_start3A_244 = tpu.memref_squeeze %dma_start3A_243 : memref<1x8x128xf32, #tpu.memory_space<vmem_shared>> -> memref<8x128xf32, #tpu.memory_space<vmem_shared>>
      %dma_start3A_245 = arith.constant 0 : i32
      %dma_start3A_246 = arith.constant 0 : i32
      %dma_start3A_247 = tpu.memref_slice %arg8[%arg1, %dma_start3A_245, %dma_start3A_246] : memref<16x8x128xf32, #tpu.memory_space<vmem_shared>> -> memref<1x8x128xf32, #tpu.memory_space<vmem_shared>>
      %dma_start3A_248 = tpu.memref_squeeze %dma_start3A_247 : memref<1x8x128xf32, #tpu.memory_space<vmem_shared>> -> memref<8x128xf32, #tpu.memory_space<vmem_shared>>
      tpu.enqueue_dma source(%arg7 : memref<8x128xf32, #tpu.memory_space<vmem>>) target(%dma_start3A_248 : memref<8x128xf32, #tpu.memory_space<vmem_shared>>) target_semaphore(%run_scoped3A : memref<!tpu.dma_semaphore, #tpu.memory_space<semaphore_mem>>)
      %dma_wait3A_249 = arith.constant 0 : i32
      %dma_wait3A_250 = arith.constant 0 : i32
      %dma_wait3A_251 = tpu.memref_slice %arg8[%arg1, %dma_wait3A_249, %dma_wait3A_250] : memref<16x8x128xf32, #tpu.memory_space<vmem_shared>> -> memref<1x8x128xf32, #tpu.memory_space<vmem_shared>>
      %dma_wait3A_252 = tpu.memref_squeeze %dma_wait3A_251 : memref<1x8x128xf32, #tpu.memory_space<vmem_shared>> -> memref<8x128xf32, #tpu.memory_space<vmem_shared>>
      %dma_wait3A_253 = arith.constant 0 : i32
      %dma_wait3A_254 = arith.constant 0 : i32
      %dma_wait3A_255 = tpu.memref_slice %arg8[%arg1, %dma_wait3A_253, %dma_wait3A_254] : memref<16x8x128xf32, #tpu.memory_space<vmem_shared>> -> memref<1x8x128xf32, #tpu.memory_space<vmem_shared>>
      %dma_wait3A_256 = tpu.memref_squeeze %dma_wait3A_255 : memref<1x8x128xf32, #tpu.memory_space<vmem_shared>> -> memref<8x128xf32, #tpu.memory_space<vmem_shared>>
      tpu.wait_dma2 semaphore(%run_scoped3A : memref<!tpu.dma_semaphore, #tpu.memory_space<semaphore_mem>>) src(%arg7 : memref<8x128xf32, #tpu.memory_space<vmem>>) dst(%dma_wait3A_256 : memref<8x128xf32, #tpu.memory_space<vmem_shared>>)
      tpu.yield
    }) : () -> ()
    %barrier3A = arith.constant 0 : index
    tpu.barrier barrier_id(%barrier3A)
    %lt3A_232 = arith.constant 4 : i32
    %lt3A_233 = arith.cmpi slt, %arg1, %lt3A_232 : i32
    %convert_element_type3A = arith.extui %lt3A_233 : i1 to i32
    %cond3A = arith.constant 0 : i32
    %cond3A_234 = arith.cmpi ne, %convert_element_type3A, %cond3A : i32
    scf.if %cond3A_234 {
      %add3A_241 = arith.constant 0 : i32
      %add3A_242 = arith.addi %add3A_241, %arg1 : i32
      %run_scoped3A = arith.constant 0 : i32
      "tpu.region"() ({
        %run_scoped3A_265 = tpu.sem_alloc : memref<!tpu.dma_semaphore, #tpu.memory_space<semaphore_mem>>
        %dma_start3A_266 = arith.constant 0 : i32
        %dma_start3A_267 = arith.constant 0 : i32
        %dma_start3A_268 = tpu.memref_slice %arg9[%run_scoped3A, %dma_start3A_266, %dma_start3A_267] : memref<4x8x128xf32, #tpu.memory_space<vmem>> -> memref<1x8x128xf32, #tpu.memory_space<vmem>>
        %dma_start3A_269 = tpu.memref_squeeze %dma_start3A_268 : memref<1x8x128xf32, #tpu.memory_space<vmem>> -> memref<8x128xf32, #tpu.memory_space<vmem>>
        %dma_start3A_270 = arith.constant 0 : i32
        %dma_start3A_271 = arith.constant 0 : i32
        %dma_start3A_272 = tpu.memref_slice %arg8[%add3A_242, %dma_start3A_270, %dma_start3A_271] : memref<16x8x128xf32, #tpu.memory_space<vmem_shared>> -> memref<1x8x128xf32, #tpu.memory_space<vmem_shared>>
        %dma_start3A_273 = tpu.memref_squeeze %dma_start3A_272 : memref<1x8x128xf32, #tpu.memory_space<vmem_shared>> -> memref<8x128xf32, #tpu.memory_space<vmem_shared>>
        %dma_start3A_274 = arith.constant 0 : i32
        %dma_start3A_275 = arith.constant 0 : i32
        %dma_start3A_276 = tpu.memref_slice %arg9[%run_scoped3A, %dma_start3A_274, %dma_start3A_275] : memref<4x8x128xf32, #tpu.memory_space<vmem>> -> memref<1x8x128xf32, #tpu.memory_space<vmem>>
        %dma_start3A_277 = tpu.memref_squeeze %dma_start3A_276 : memref<1x8x128xf32, #tpu.memory_space<vmem>> -> memref<8x128xf32, #tpu.memory_space<vmem>>
        %dma_start3A_278 = arith.constant 0 : i32
        %dma_start3A_279 = arith.constant 0 : i32
        %dma_start3A_280 = tpu.memref_slice %arg8[%add3A_242, %dma_start3A_278, %dma_start3A_279] : memref<16x8x128xf32, #tpu.memory_space<vmem_shared>> -> memref<1x8x128xf32, #tpu.memory_space<vmem_shared>>
        %dma_start3A_281 = tpu.memref_squeeze %dma_start3A_280 : memref<1x8x128xf32, #tpu.memory_space<vmem_shared>> -> memref<8x128xf32, #tpu.memory_space<vmem_shared>>
        tpu.enqueue_dma source(%dma_start3A_281 : memref<8x128xf32, #tpu.memory_space<vmem_shared>>) target(%dma_start3A_277 : memref<8x128xf32, #tpu.memory_space<vmem>>) target_semaphore(%run_scoped3A_265 : memref<!tpu.dma_semaphore, #tpu.memory_space<semaphore_mem>>)
        %dma_wait3A_282 = arith.constant 0 : i32
        %dma_wait3A_283 = arith.constant 0 : i32
        %dma_wait3A_284 = tpu.memref_slice %arg9[%run_scoped3A, %dma_wait3A_282, %dma_wait3A_283] : memref<4x8x128xf32, #tpu.memory_space<vmem>> -> memref<1x8x128xf32, #tpu.memory_space<vmem>>
        %dma_wait3A_285 = tpu.memref_squeeze %dma_wait3A_284 : memref<1x8x128xf32, #tpu.memory_space<vmem>> -> memref<8x128xf32, #tpu.memory_space<vmem>>
        %dma_wait3A_286 = arith.constant 0 : i32
        %dma_wait3A_287 = arith.constant 0 : i32
        %dma_wait3A_288 = tpu.memref_slice %arg8[%add3A_242, %dma_wait3A_286, %dma_wait3A_287] : memref<16x8x128xf32, #tpu.memory_space<vmem_shared>> -> memref<1x8x128xf32, #tpu.memory_space<vmem_shared>>
        %dma_wait3A_289 = tpu.memref_squeeze %dma_wait3A_288 : memref<1x8x128xf32, #tpu.memory_space<vmem_shared>> -> memref<8x128xf32, #tpu.memory_space<vmem_shared>>
        %dma_wait3A_290 = arith.constant 0 : i32
        %dma_wait3A_291 = arith.constant 0 : i32
        %dma_wait3A_292 = tpu.memref_slice %arg9[%run_scoped3A, %dma_wait3A_290, %dma_wait3A_291] : memref<4x8x128xf32, #tpu.memory_space<vmem>> -> memref<1x8x128xf32, #tpu.memory_space<vmem>>
        %dma_wait3A_293 = tpu.memref_squeeze %dma_wait3A_292 : memref<1x8x128xf32, #tpu.memory_space<vmem>> -> memref<8x128xf32, #tpu.memory_space<vmem>>
        %dma_wait3A_294 = arith.constant 0 : i32
        %dma_wait3A_295 = arith.constant 0 : i32
        %dma_wait3A_296 = tpu.memref_slice %arg8[%add3A_242, %dma_wait3A_294, %dma_wait3A_295] : memref<16x8x128xf32, #tpu.memory_space<vmem_shared>> -> memref<1x8x128xf32, #tpu.memory_space<vmem_shared>>
        %dma_wait3A_297 = tpu.memref_squeeze %dma_wait3A_296 : memref<1x8x128xf32, #tpu.memory_space<vmem_shared>> -> memref<8x128xf32, #tpu.memory_space<vmem_shared>>
        tpu.wait_dma2 semaphore(%run_scoped3A_265 : memref<!tpu.dma_semaphore, #tpu.memory_space<semaphore_mem>>) src(%dma_wait3A_297 : memref<8x128xf32, #tpu.memory_space<vmem_shared>>) dst(%dma_wait3A_293 : memref<8x128xf32, #tpu.memory_space<vmem>>)
        tpu.yield
      }) : () -> ()
      %add3A_243 = arith.constant 4 : i32
      %add3A_244 = arith.addi %add3A_243, %arg1 : i32
      %run_scoped3A_245 = arith.constant 1 : i32
      "tpu.region"() ({
        %run_scoped3A_265 = tpu.sem_alloc : memref<!tpu.dma_semaphore, #tpu.memory_space<semaphore_mem>>
        %dma_start3A_266 = arith.constant 0 : i32
        %dma_start3A_267 = arith.constant 0 : i32
        %dma_start3A_268 = tpu.memref_slice %arg9[%run_scoped3A_245, %dma_start3A_266, %dma_start3A_267] : memref<4x8x128xf32, #tpu.memory_space<vmem>> -> memref<1x8x128xf32, #tpu.memory_space<vmem>>
        %dma_start3A_269 = tpu.memref_squeeze %dma_start3A_268 : memref<1x8x128xf32, #tpu.memory_space<vmem>> -> memref<8x128xf32, #tpu.memory_space<vmem>>
        %dma_start3A_270 = arith.constant 0 : i32
        %dma_start3A_271 = arith.constant 0 : i32
        %dma_start3A_272 = tpu.memref_slice %arg8[%add3A_244, %dma_start3A_270, %dma_start3A_271] : memref<16x8x128xf32, #tpu.memory_space<vmem_shared>> -> memref<1x8x128xf32, #tpu.memory_space<vmem_shared>>
        %dma_start3A_273 = tpu.memref_squeeze %dma_start3A_272 : memref<1x8x128xf32, #tpu.memory_space<vmem_shared>> -> memref<8x128xf32, #tpu.memory_space<vmem_shared>>
        %dma_start3A_274 = arith.constant 0 : i32
        %dma_start3A_275 = arith.constant 0 : i32
        %dma_start3A_276 = tpu.memref_slice %arg9[%run_scoped3A_245, %dma_start3A_274, %dma_start3A_275] : memref<4x8x128xf32, #tpu.memory_space<vmem>> -> memref<1x8x128xf32, #tpu.memory_space<vmem>>
        %dma_start3A_277 = tpu.memref_squeeze %dma_start3A_276 : memref<1x8x128xf32, #tpu.memory_space<vmem>> -> memref<8x128xf32, #tpu.memory_space<vmem>>
        %dma_start3A_278 = arith.constant 0 : i32
        %dma_start3A_279 = arith.constant 0 : i32
        %dma_start3A_280 = tpu.memref_slice %arg8[%add3A_244, %dma_start3A_278, %dma_start3A_279] : memref<16x8x128xf32, #tpu.memory_space<vmem_shared>> -> memref<1x8x128xf32, #tpu.memory_space<vmem_shared>>
        %dma_start3A_281 = tpu.memref_squeeze %dma_start3A_280 : memref<1x8x128xf32, #tpu.memory_space<vmem_shared>> -> memref<8x128xf32, #tpu.memory_space<vmem_shared>>
        tpu.enqueue_dma source(%dma_start3A_281 : memref<8x128xf32, #tpu.memory_space<vmem_shared>>) target(%dma_start3A_277 : memref<8x128xf32, #tpu.memory_space<vmem>>) target_semaphore(%run_scoped3A_265 : memref<!tpu.dma_semaphore, #tpu.memory_space<semaphore_mem>>)
        %dma_wait3A_282 = arith.constant 0 : i32
        %dma_wait3A_283 = arith.constant 0 : i32
        %dma_wait3A_284 = tpu.memref_slice %arg9[%run_scoped3A_245, %dma_wait3A_282, %dma_wait3A_283] : memref<4x8x128xf32, #tpu.memory_space<vmem>> -> memref<1x8x128xf32, #tpu.memory_space<vmem>>
        %dma_wait3A_285 = tpu.memref_squeeze %dma_wait3A_284 : memref<1x8x128xf32, #tpu.memory_space<vmem>> -> memref<8x128xf32, #tpu.memory_space<vmem>>
        %dma_wait3A_286 = arith.constant 0 : i32
        %dma_wait3A_287 = arith.constant 0 : i32
        %dma_wait3A_288 = tpu.memref_slice %arg8[%add3A_244, %dma_wait3A_286, %dma_wait3A_287] : memref<16x8x128xf32, #tpu.memory_space<vmem_shared>> -> memref<1x8x128xf32, #tpu.memory_space<vmem_shared>>
        %dma_wait3A_289 = tpu.memref_squeeze %dma_wait3A_288 : memref<1x8x128xf32, #tpu.memory_space<vmem_shared>> -> memref<8x128xf32, #tpu.memory_space<vmem_shared>>
        %dma_wait3A_290 = arith.constant 0 : i32
        %dma_wait3A_291 = arith.constant 0 : i32
        %dma_wait3A_292 = tpu.memref_slice %arg9[%run_scoped3A_245, %dma_wait3A_290, %dma_wait3A_291] : memref<4x8x128xf32, #tpu.memory_space<vmem>> -> memref<1x8x128xf32, #tpu.memory_space<vmem>>
        %dma_wait3A_293 = tpu.memref_squeeze %dma_wait3A_292 : memref<1x8x128xf32, #tpu.memory_space<vmem>> -> memref<8x128xf32, #tpu.memory_space<vmem>>
        %dma_wait3A_294 = arith.constant 0 : i32
        %dma_wait3A_295 = arith.constant 0 : i32
        %dma_wait3A_296 = tpu.memref_slice %arg8[%add3A_244, %dma_wait3A_294, %dma_wait3A_295] : memref<16x8x128xf32, #tpu.memory_space<vmem_shared>> -> memref<1x8x128xf32, #tpu.memory_space<vmem_shared>>
        %dma_wait3A_297 = tpu.memref_squeeze %dma_wait3A_296 : memref<1x8x128xf32, #tpu.memory_space<vmem_shared>> -> memref<8x128xf32, #tpu.memory_space<vmem_shared>>
        tpu.wait_dma2 semaphore(%run_scoped3A_265 : memref<!tpu.dma_semaphore, #tpu.memory_space<semaphore_mem>>) src(%dma_wait3A_297 : memref<8x128xf32, #tpu.memory_space<vmem_shared>>) dst(%dma_wait3A_293 : memref<8x128xf32, #tpu.memory_space<vmem>>)
        tpu.yield
      }) : () -> ()
      %add3A_246 = arith.constant 8 : i32
      %add3A_247 = arith.addi %add3A_246, %arg1 : i32
      %run_scoped3A_248 = arith.constant 2 : i32
      "tpu.region"() ({
        %run_scoped3A_265 = tpu.sem_alloc : memref<!tpu.dma_semaphore, #tpu.memory_space<semaphore_mem>>
        %dma_start3A_266 = arith.constant 0 : i32
        %dma_start3A_267 = arith.constant 0 : i32
        %dma_start3A_268 = tpu.memref_slice %arg9[%run_scoped3A_248, %dma_start3A_266, %dma_start3A_267] : memref<4x8x128xf32, #tpu.memory_space<vmem>> -> memref<1x8x128xf32, #tpu.memory_space<vmem>>
        %dma_start3A_269 = tpu.memref_squeeze %dma_start3A_268 : memref<1x8x128xf32, #tpu.memory_space<vmem>> -> memref<8x128xf32, #tpu.memory_space<vmem>>
        %dma_start3A_270 = arith.constant 0 : i32
        %dma_start3A_271 = arith.constant 0 : i32
        %dma_start3A_272 = tpu.memref_slice %arg8[%add3A_247, %dma_start3A_270, %dma_start3A_271] : memref<16x8x128xf32, #tpu.memory_space<vmem_shared>> -> memref<1x8x128xf32, #tpu.memory_space<vmem_shared>>
        %dma_start3A_273 = tpu.memref_squeeze %dma_start3A_272 : memref<1x8x128xf32, #tpu.memory_space<vmem_shared>> -> memref<8x128xf32, #tpu.memory_space<vmem_shared>>
        %dma_start3A_274 = arith.constant 0 : i32
        %dma_start3A_275 = arith.constant 0 : i32
        %dma_start3A_276 = tpu.memref_slice %arg9[%run_scoped3A_248, %dma_start3A_274, %dma_start3A_275] : memref<4x8x128xf32, #tpu.memory_space<vmem>> -> memref<1x8x128xf32, #tpu.memory_space<vmem>>
        %dma_start3A_277 = tpu.memref_squeeze %dma_start3A_276 : memref<1x8x128xf32, #tpu.memory_space<vmem>> -> memref<8x128xf32, #tpu.memory_space<vmem>>
        %dma_start3A_278 = arith.constant 0 : i32
        %dma_start3A_279 = arith.constant 0 : i32
        %dma_start3A_280 = tpu.memref_slice %arg8[%add3A_247, %dma_start3A_278, %dma_start3A_279] : memref<16x8x128xf32, #tpu.memory_space<vmem_shared>> -> memref<1x8x128xf32, #tpu.memory_space<vmem_shared>>
        %dma_start3A_281 = tpu.memref_squeeze %dma_start3A_280 : memref<1x8x128xf32, #tpu.memory_space<vmem_shared>> -> memref<8x128xf32, #tpu.memory_space<vmem_shared>>
        tpu.enqueue_dma source(%dma_start3A_281 : memref<8x128xf32, #tpu.memory_space<vmem_shared>>) target(%dma_start3A_277 : memref<8x128xf32, #tpu.memory_space<vmem>>) target_semaphore(%run_scoped3A_265 : memref<!tpu.dma_semaphore, #tpu.memory_space<semaphore_mem>>)
        %dma_wait3A_282 = arith.constant 0 : i32
        %dma_wait3A_283 = arith.constant 0 : i32
        %dma_wait3A_284 = tpu.memref_slice %arg9[%run_scoped3A_248, %dma_wait3A_282, %dma_wait3A_283] : memref<4x8x128xf32, #tpu.memory_space<vmem>> -> memref<1x8x128xf32, #tpu.memory_space<vmem>>
        %dma_wait3A_285 = tpu.memref_squeeze %dma_wait3A_284 : memref<1x8x128xf32, #tpu.memory_space<vmem>> -> memref<8x128xf32, #tpu.memory_space<vmem>>
        %dma_wait3A_286 = arith.constant 0 : i32
        %dma_wait3A_287 = arith.constant 0 : i32
        %dma_wait3A_288 = tpu.memref_slice %arg8[%add3A_247, %dma_wait3A_286, %dma_wait3A_287] : memref<16x8x128xf32, #tpu.memory_space<vmem_shared>> -> memref<1x8x128xf32, #tpu.memory_space<vmem_shared>>
        %dma_wait3A_289 = tpu.memref_squeeze %dma_wait3A_288 : memref<1x8x128xf32, #tpu.memory_space<vmem_shared>> -> memref<8x128xf32, #tpu.memory_space<vmem_shared>>
        %dma_wait3A_290 = arith.constant 0 : i32
        %dma_wait3A_291 = arith.constant 0 : i32
        %dma_wait3A_292 = tpu.memref_slice %arg9[%run_scoped3A_248, %dma_wait3A_290, %dma_wait3A_291] : memref<4x8x128xf32, #tpu.memory_space<vmem>> -> memref<1x8x128xf32, #tpu.memory_space<vmem>>
        %dma_wait3A_293 = tpu.memref_squeeze %dma_wait3A_292 : memref<1x8x128xf32, #tpu.memory_space<vmem>> -> memref<8x128xf32, #tpu.memory_space<vmem>>
        %dma_wait3A_294 = arith.constant 0 : i32
        %dma_wait3A_295 = arith.constant 0 : i32
        %dma_wait3A_296 = tpu.memref_slice %arg8[%add3A_247, %dma_wait3A_294, %dma_wait3A_295] : memref<16x8x128xf32, #tpu.memory_space<vmem_shared>> -> memref<1x8x128xf32, #tpu.memory_space<vmem_shared>>
        %dma_wait3A_297 = tpu.memref_squeeze %dma_wait3A_296 : memref<1x8x128xf32, #tpu.memory_space<vmem_shared>> -> memref<8x128xf32, #tpu.memory_space<vmem_shared>>
        tpu.wait_dma2 semaphore(%run_scoped3A_265 : memref<!tpu.dma_semaphore, #tpu.memory_space<semaphore_mem>>) src(%dma_wait3A_297 : memref<8x128xf32, #tpu.memory_space<vmem_shared>>) dst(%dma_wait3A_293 : memref<8x128xf32, #tpu.memory_space<vmem>>)
        tpu.yield
      }) : () -> ()
      %add3A_249 = arith.constant 12 : i32
      %add3A_250 = arith.addi %add3A_249, %arg1 : i32
      %run_scoped3A_251 = arith.constant 3 : i32
      "tpu.region"() ({
        %run_scoped3A_265 = tpu.sem_alloc : memref<!tpu.dma_semaphore, #tpu.memory_space<semaphore_mem>>
        %dma_start3A_266 = arith.constant 0 : i32
        %dma_start3A_267 = arith.constant 0 : i32
        %dma_start3A_268 = tpu.memref_slice %arg9[%run_scoped3A_251, %dma_start3A_266, %dma_start3A_267] : memref<4x8x128xf32, #tpu.memory_space<vmem>> -> memref<1x8x128xf32, #tpu.memory_space<vmem>>
        %dma_start3A_269 = tpu.memref_squeeze %dma_start3A_268 : memref<1x8x128xf32, #tpu.memory_space<vmem>> -> memref<8x128xf32, #tpu.memory_space<vmem>>
        %dma_start3A_270 = arith.constant 0 : i32
        %dma_start3A_271 = arith.constant 0 : i32
        %dma_start3A_272 = tpu.memref_slice %arg8[%add3A_250, %dma_start3A_270, %dma_start3A_271] : memref<16x8x128xf32, #tpu.memory_space<vmem_shared>> -> memref<1x8x128xf32, #tpu.memory_space<vmem_shared>>
        %dma_start3A_273 = tpu.memref_squeeze %dma_start3A_272 : memref<1x8x128xf32, #tpu.memory_space<vmem_shared>> -> memref<8x128xf32, #tpu.memory_space<vmem_shared>>
        %dma_start3A_274 = arith.constant 0 : i32
        %dma_start3A_275 = arith.constant 0 : i32
        %dma_start3A_276 = tpu.memref_slice %arg9[%run_scoped3A_251, %dma_start3A_274, %dma_start3A_275] : memref<4x8x128xf32, #tpu.memory_space<vmem>> -> memref<1x8x128xf32, #tpu.memory_space<vmem>>
        %dma_start3A_277 = tpu.memref_squeeze %dma_start3A_276 : memref<1x8x128xf32, #tpu.memory_space<vmem>> -> memref<8x128xf32, #tpu.memory_space<vmem>>
        %dma_start3A_278 = arith.constant 0 : i32
        %dma_start3A_279 = arith.constant 0 : i32
        %dma_start3A_280 = tpu.memref_slice %arg8[%add3A_250, %dma_start3A_278, %dma_start3A_279] : memref<16x8x128xf32, #tpu.memory_space<vmem_shared>> -> memref<1x8x128xf32, #tpu.memory_space<vmem_shared>>
        %dma_start3A_281 = tpu.memref_squeeze %dma_start3A_280 : memref<1x8x128xf32, #tpu.memory_space<vmem_shared>> -> memref<8x128xf32, #tpu.memory_space<vmem_shared>>
        tpu.enqueue_dma source(%dma_start3A_281 : memref<8x128xf32, #tpu.memory_space<vmem_shared>>) target(%dma_start3A_277 : memref<8x128xf32, #tpu.memory_space<vmem>>) target_semaphore(%run_scoped3A_265 : memref<!tpu.dma_semaphore, #tpu.memory_space<semaphore_mem>>)
        %dma_wait3A_282 = arith.constant 0 : i32
        %dma_wait3A_283 = arith.constant 0 : i32
        %dma_wait3A_284 = tpu.memref_slice %arg9[%run_scoped3A_251, %dma_wait3A_282, %dma_wait3A_283] : memref<4x8x128xf32, #tpu.memory_space<vmem>> -> memref<1x8x128xf32, #tpu.memory_space<vmem>>
        %dma_wait3A_285 = tpu.memref_squeeze %dma_wait3A_284 : memref<1x8x128xf32, #tpu.memory_space<vmem>> -> memref<8x128xf32, #tpu.memory_space<vmem>>
        %dma_wait3A_286 = arith.constant 0 : i32
        %dma_wait3A_287 = arith.constant 0 : i32
        %dma_wait3A_288 = tpu.memref_slice %arg8[%add3A_250, %dma_wait3A_286, %dma_wait3A_287] : memref<16x8x128xf32, #tpu.memory_space<vmem_shared>> -> memref<1x8x128xf32, #tpu.memory_space<vmem_shared>>
        %dma_wait3A_289 = tpu.memref_squeeze %dma_wait3A_288 : memref<1x8x128xf32, #tpu.memory_space<vmem_shared>> -> memref<8x128xf32, #tpu.memory_space<vmem_shared>>
        %dma_wait3A_290 = arith.constant 0 : i32
        %dma_wait3A_291 = arith.constant 0 : i32
        %dma_wait3A_292 = tpu.memref_slice %arg9[%run_scoped3A_251, %dma_wait3A_290, %dma_wait3A_291] : memref<4x8x128xf32, #tpu.memory_space<vmem>> -> memref<1x8x128xf32, #tpu.memory_space<vmem>>
        %dma_wait3A_293 = tpu.memref_squeeze %dma_wait3A_292 : memref<1x8x128xf32, #tpu.memory_space<vmem>> -> memref<8x128xf32, #tpu.memory_space<vmem>>
        %dma_wait3A_294 = arith.constant 0 : i32
        %dma_wait3A_295 = arith.constant 0 : i32
        %dma_wait3A_296 = tpu.memref_slice %arg8[%add3A_250, %dma_wait3A_294, %dma_wait3A_295] : memref<16x8x128xf32, #tpu.memory_space<vmem_shared>> -> memref<1x8x128xf32, #tpu.memory_space<vmem_shared>>
        %dma_wait3A_297 = tpu.memref_squeeze %dma_wait3A_296 : memref<1x8x128xf32, #tpu.memory_space<vmem_shared>> -> memref<8x128xf32, #tpu.memory_space<vmem_shared>>
        tpu.wait_dma2 semaphore(%run_scoped3A_265 : memref<!tpu.dma_semaphore, #tpu.memory_space<semaphore_mem>>) src(%dma_wait3A_297 : memref<8x128xf32, #tpu.memory_space<vmem_shared>>) dst(%dma_wait3A_293 : memref<8x128xf32, #tpu.memory_space<vmem>>)
        tpu.yield
      }) : () -> ()
      %scan3A_252 = arith.constant 0 : i32
      %scan3A_253 = arith.constant 8 : i32
      %scan3A_254 = arith.addi %scan3A_252, %scan3A_253 : i32
      %scan3A_255 = arith.constant 1 : i32
      %scan3A_256 = scf.for %scan3A_265 = %scan3A_252 to %scan3A_254 step %scan3A_255 iter_args(%scan3A_266 = %broadcast_in_dim3A_83) -> (vector<16xf32>)  : i32 {
        %mul3A_267 = arith.constant 16 : i32
        %mul3A_268 = arith.muli %scan3A_265, %mul3A_267 : i32
        %multiple_of3A_269 = tpu.assume_multiple %mul3A_268, 16 : i32
        %get3A = arith.constant 0 : i32
        %get3A_270 = arith.constant 0 : i32
        %get3A_271 = arith.index_cast %get3A : i32 to index
        %get3A_272 = arith.index_cast %get3A_270 : i32 to index
        %get3A_273 = arith.index_cast %multiple_of3A_269 : i32 to index
        %get3A_274 = tpu.vector_load %arg9[%get3A_271, %get3A_272, %get3A_273] {strides = array<i32>} : memref<4x8x128xf32, #tpu.memory_space<vmem>>, vector<1x1x16xf32>,
        %get3A_275 = vector.shape_cast %get3A_274 : vector<1x1x16xf32> to vector<16xf32>
        %add3A_276 = arith.addf %broadcast_in_dim3A_83, %get3A_275 : vector<16xf32>
        %get3A_277 = arith.constant 0 : i32
        %get3A_278 = arith.constant 1 : i32
        %get3A_279 = arith.index_cast %get3A_277 : i32 to index
        %get3A_280 = arith.index_cast %get3A_278 : i32 to index
        %get3A_281 = arith.index_cast %multiple_of3A_269 : i32 to index
        %get3A_282 = tpu.vector_load %arg9[%get3A_279, %get3A_280, %get3A_281] {strides = array<i32>} : memref<4x8x128xf32, #tpu.memory_space<vmem>>, vector<1x1x16xf32>,
        %get3A_283 = vector.shape_cast %get3A_282 : vector<1x1x16xf32> to vector<16xf32>
        %add3A_284 = arith.addf %broadcast_in_dim3A_83, %get3A_283 : vector<16xf32>
        %get3A_285 = arith.constant 0 : i32
        %get3A_286 = arith.constant 2 : i32
        %get3A_287 = arith.index_cast %get3A_285 : i32 to index
        %get3A_288 = arith.index_cast %get3A_286 : i32 to index
        %get3A_289 = arith.index_cast %multiple_of3A_269 : i32 to index
        %get3A_290 = tpu.vector_load %arg9[%get3A_287, %get3A_288, %get3A_289] {strides = array<i32>} : memref<4x8x128xf32, #tpu.memory_space<vmem>>, vector<1x1x16xf32>,
        %get3A_291 = vector.shape_cast %get3A_290 : vector<1x1x16xf32> to vector<16xf32>
        %add3A_292 = arith.addf %broadcast_in_dim3A_83, %get3A_291 : vector<16xf32>
        %get3A_293 = arith.constant 1 : i32
        %get3A_294 = arith.constant 0 : i32
        %get3A_295 = arith.index_cast %get3A_293 : i32 to index
        %get3A_296 = arith.index_cast %get3A_294 : i32 to index
        %get3A_297 = arith.index_cast %multiple_of3A_269 : i32 to index
        %get3A_298 = tpu.vector_load %arg9[%get3A_295, %get3A_296, %get3A_297] {strides = array<i32>} : memref<4x8x128xf32, #tpu.memory_space<vmem>>, vector<1x1x16xf32>,
        %get3A_299 = vector.shape_cast %get3A_298 : vector<1x1x16xf32> to vector<16xf32>
        %add3A_300 = arith.addf %add3A_276, %get3A_299 : vector<16xf32>
        %get3A_301 = arith.constant 1 : i32
        %get3A_302 = arith.constant 1 : i32
        %get3A_303 = arith.index_cast %get3A_301 : i32 to index
        %get3A_304 = arith.index_cast %get3A_302 : i32 to index
        %get3A_305 = arith.index_cast %multiple_of3A_269 : i32 to index
        %get3A_306 = tpu.vector_load %arg9[%get3A_303, %get3A_304, %get3A_305] {strides = array<i32>} : memref<4x8x128xf32, #tpu.memory_space<vmem>>, vector<1x1x16xf32>,
        %get3A_307 = vector.shape_cast %get3A_306 : vector<1x1x16xf32> to vector<16xf32>
        %add3A_308 = arith.addf %add3A_284, %get3A_307 : vector<16xf32>
        %get3A_309 = arith.constant 1 : i32
        %get3A_310 = arith.constant 2 : i32
        %get3A_311 = arith.index_cast %get3A_309 : i32 to index
        %get3A_312 = arith.index_cast %get3A_310 : i32 to index
        %get3A_313 = arith.index_cast %multiple_of3A_269 : i32 to index
        %get3A_314 = tpu.vector_load %arg9[%get3A_311, %get3A_312, %get3A_313] {strides = array<i32>} : memref<4x8x128xf32, #tpu.memory_space<vmem>>, vector<1x1x16xf32>,
        %get3A_315 = vector.shape_cast %get3A_314 : vector<1x1x16xf32> to vector<16xf32>
        %add3A_316 = arith.addf %add3A_292, %get3A_315 : vector<16xf32>
        %get3A_317 = arith.constant 2 : i32
        %get3A_318 = arith.constant 0 : i32
        %get3A_319 = arith.index_cast %get3A_317 : i32 to index
        %get3A_320 = arith.index_cast %get3A_318 : i32 to index
        %get3A_321 = arith.index_cast %multiple_of3A_269 : i32 to index
        %get3A_322 = tpu.vector_load %arg9[%get3A_319, %get3A_320, %get3A_321] {strides = array<i32>} : memref<4x8x128xf32, #tpu.memory_space<vmem>>, vector<1x1x16xf32>,
        %get3A_323 = vector.shape_cast %get3A_322 : vector<1x1x16xf32> to vector<16xf32>
        %add3A_324 = arith.addf %add3A_300, %get3A_323 : vector<16xf32>
        %get3A_325 = arith.constant 2 : i32
        %get3A_326 = arith.constant 1 : i32
        %get3A_327 = arith.index_cast %get3A_325 : i32 to index
        %get3A_328 = arith.index_cast %get3A_326 : i32 to index
        %get3A_329 = arith.index_cast %multiple_of3A_269 : i32 to index
        %get3A_330 = tpu.vector_load %arg9[%get3A_327, %get3A_328, %get3A_329] {strides = array<i32>} : memref<4x8x128xf32, #tpu.memory_space<vmem>>, vector<1x1x16xf32>,
        %get3A_331 = vector.shape_cast %get3A_330 : vector<1x1x16xf32> to vector<16xf32>
        %add3A_332 = arith.addf %add3A_308, %get3A_331 : vector<16xf32>
        %get3A_333 = arith.constant 2 : i32
        %get3A_334 = arith.constant 2 : i32
        %get3A_335 = arith.index_cast %get3A_333 : i32 to index
        %get3A_336 = arith.index_cast %get3A_334 : i32 to index
        %get3A_337 = arith.index_cast %multiple_of3A_269 : i32 to index
        %get3A_338 = tpu.vector_load %arg9[%get3A_335, %get3A_336, %get3A_337] {strides = array<i32>} : memref<4x8x128xf32, #tpu.memory_space<vmem>>, vector<1x1x16xf32>,
        %get3A_339 = vector.shape_cast %get3A_338 : vector<1x1x16xf32> to vector<16xf32>
        %add3A_340 = arith.addf %add3A_316, %get3A_339 : vector<16xf32>
        %get3A_341 = arith.constant 3 : i32
        %get3A_342 = arith.constant 0 : i32
        %get3A_343 = arith.index_cast %get3A_341 : i32 to index
        %get3A_344 = arith.index_cast %get3A_342 : i32 to index
        %get3A_345 = arith.index_cast %multiple_of3A_269 : i32 to index
        %get3A_346 = tpu.vector_load %arg9[%get3A_343, %get3A_344, %get3A_345] {strides = array<i32>} : memref<4x8x128xf32, #tpu.memory_space<vmem>>, vector<1x1x16xf32>,
        %get3A_347 = vector.shape_cast %get3A_346 : vector<1x1x16xf32> to vector<16xf32>
        %add3A_348 = arith.addf %add3A_324, %get3A_347 : vector<16xf32>
        %get3A_349 = arith.constant 3 : i32
        %get3A_350 = arith.constant 1 : i32
        %get3A_351 = arith.index_cast %get3A_349 : i32 to index
        %get3A_352 = arith.index_cast %get3A_350 : i32 to index
        %get3A_353 = arith.index_cast %multiple_of3A_269 : i32 to index
        %get3A_354 = tpu.vector_load %arg9[%get3A_351, %get3A_352, %get3A_353] {strides = array<i32>} : memref<4x8x128xf32, #tpu.memory_space<vmem>>, vector<1x1x16xf32>,
        %get3A_355 = vector.shape_cast %get3A_354 : vector<1x1x16xf32> to vector<16xf32>
        %add3A_356 = arith.addf %add3A_332, %get3A_355 : vector<16xf32>
        %get3A_357 = arith.constant 3 : i32
        %get3A_358 = arith.constant 2 : i32
        %get3A_359 = arith.index_cast %get3A_357 : i32 to index
        %get3A_360 = arith.index_cast %get3A_358 : i32 to index
        %get3A_361 = arith.index_cast %multiple_of3A_269 : i32 to index
        %get3A_362 = tpu.vector_load %arg9[%get3A_359, %get3A_360, %get3A_361] {strides = array<i32>} : memref<4x8x128xf32, #tpu.memory_space<vmem>>, vector<1x1x16xf32>,
        %get3A_363 = vector.shape_cast %get3A_362 : vector<1x1x16xf32> to vector<16xf32>
        %add3A_364 = arith.addf %add3A_340, %get3A_363 : vector<16xf32>
        %div3A_365 = arith.divf %add3A_348, %add3A_356 : vector<16xf32>
        %gt3A = arith.constant 0.000000e+00 : f32
        %gt3A_366 = vector.broadcast %gt3A : f32 to vector<16xf32>
        %gt3A_367 = arith.cmpf ogt, %div3A_365, %gt3A_366 : vector<16xf32>
        %bitcast_convert_type3A = tpu.bitcast %div3A_365 : vector<16xf32> -> vector<16xi32>
        %shift_right_arithmetic3A = arith.constant 23 : i32
        %shift_right_arithmetic3A_368 = vector.broadcast %shift_right_arithmetic3A : i32 to vector<16xi32>
        %shift_right_arithmetic3A_369 = arith.shrsi %bitcast_convert_type3A, %shift_right_arithmetic3A_368 : vector<16xi32>
        %and3A_370 = arith.constant 255 : i32
        %and3A_371 = vector.broadcast %and3A_370 : i32 to vector<16xi32>
        %and3A_372 = arith.andi %shift_right_arithmetic3A_369, %and3A_371 : vector<16xi32>
        %sub3A_373 = arith.constant 127 : i32
        %sub3A_374 = vector.broadcast %sub3A_373 : i32 to vector<16xi32>
        %sub3A_375 = arith.subi %and3A_372, %sub3A_374 : vector<16xi32>
        %and3A_376 = arith.constant 8388607 : i32
        %and3A_377 = vector.broadcast %and3A_376 : i32 to vector<16xi32>
        %and3A_378 = arith.andi %bitcast_convert_type3A, %and3A_377 : vector<16xi32>
        %or3A = arith.constant 1065353216 : i32
        %or3A_379 = vector.broadcast %or3A : i32 to vector<16xi32>
        %or3A_380 = arith.ori %and3A_378, %or3A_379 : vector<16xi32>
        %bitcast_convert_type3A_381 = tpu.bitcast %or3A_380 : vector<16xi32> -> vector<16xf32>
        %gt3A_382 = arith.constant 1.41421354 : f32
        %gt3A_383 = vector.broadcast %gt3A_382 : f32 to vector<16xf32>
        %gt3A_384 = arith.cmpf ogt, %bitcast_convert_type3A_381, %gt3A_383 : vector<16xf32>
        %mul3A_385 = arith.constant 5.000000e-01 : f32
        %mul3A_386 = vector.broadcast %mul3A_385 : f32 to vector<16xf32>
        %mul3A_387 = arith.mulf %bitcast_convert_type3A_381, %mul3A_386 : vector<16xf32>
        %select_n3A_388 = arith.select %gt3A_384, %mul3A_387, %bitcast_convert_type3A_381 : vector<16xi1>, vector<16xf32>
        %convert_element_type3A_389 = arith.sitofp %sub3A_375 : vector<16xi32> to vector<16xf32>
        %jit3A_390 = arith.constant 1.000000e+00 : f32
        %jit3A_391 = arith.constant 0.000000e+00 : f32
        %broadcast_in_dim3A_392 = vector.broadcast %jit3A_390 : f32 to vector<16xf32>
        %broadcast_in_dim3A_393 = vector.broadcast %jit3A_391 : f32 to vector<16xf32>
        %select_n3A_394 = arith.select %gt3A_384, %broadcast_in_dim3A_392, %broadcast_in_dim3A_393 : vector<16xi1>, vector<16xf32>
        %add3A_395 = arith.addf %convert_element_type3A_389, %select_n3A_394 : vector<16xf32>
        %sub3A_396 = arith.constant 1.000000e+00 : f32
        %sub3A_397 = vector.broadcast %sub3A_396 : f32 to vector<16xf32>
        %sub3A_398 = arith.subf %select_n3A_388, %sub3A_397 : vector<16xf32>
        %add3A_399 = arith.constant 1.000000e+00 : f32
        %add3A_400 = vector.broadcast %add3A_399 : f32 to vector<16xf32>
        %add3A_401 = arith.addf %select_n3A_388, %add3A_400 : vector<16xf32>
        %div3A_402 = arith.divf %sub3A_398, %add3A_401 : vector<16xf32>
        %mul3A_403 = arith.mulf %div3A_402, %div3A_402 : vector<16xf32>
        %mul3A_404 = arith.constant 0.111111112 : f32
        %mul3A_405 = vector.broadcast %mul3A_404 : f32 to vector<16xf32>
        %mul3A_406 = arith.mulf %mul3A_403, %mul3A_405 : vector<16xf32>
        %add3A_407 = arith.constant 0.142857149 : f32
        %add3A_408 = vector.broadcast %add3A_407 : f32 to vector<16xf32>
        %add3A_409 = arith.addf %add3A_408, %mul3A_406 : vector<16xf32>
        %mul3A_410 = arith.mulf %mul3A_403, %add3A_409 : vector<16xf32>
        %add3A_411 = arith.constant 2.000000e-01 : f32
        %add3A_412 = vector.broadcast %add3A_411 : f32 to vector<16xf32>
        %add3A_413 = arith.addf %add3A_412, %mul3A_410 : vector<16xf32>
        %mul3A_414 = arith.mulf %mul3A_403, %add3A_413 : vector<16xf32>
        %add3A_415 = arith.constant 0.333333343 : f32
        %add3A_416 = vector.broadcast %add3A_415 : f32 to vector<16xf32>
        %add3A_417 = arith.addf %add3A_416, %mul3A_414 : vector<16xf32>
        %mul3A_418 = arith.mulf %mul3A_403, %add3A_417 : vector<16xf32>
        %add3A_419 = arith.constant 1.000000e+00 : f32
        %add3A_420 = vector.broadcast %add3A_419 : f32 to vector<16xf32>
        %add3A_421 = arith.addf %add3A_420, %mul3A_418 : vector<16xf32>
        %mul3A_422 = arith.constant 0.693147182 : f32
        %mul3A_423 = vector.broadcast %mul3A_422 : f32 to vector<16xf32>
        %mul3A_424 = arith.mulf %add3A_395, %mul3A_423 : vector<16xf32>
        %mul3A_425 = arith.constant 2.000000e+00 : f32
        %mul3A_426 = vector.broadcast %mul3A_425 : f32 to vector<16xf32>
        %mul3A_427 = arith.mulf %mul3A_426, %div3A_402 : vector<16xf32>
        %mul3A_428 = arith.mulf %mul3A_427, %add3A_421 : vector<16xf32>
        %add3A_429 = arith.addf %mul3A_424, %mul3A_428 : vector<16xf32>
        %neg3A = arith.constant 0.000000e+00 : f32
        %neg3A_430 = vector.broadcast %neg3A : f32 to vector<16xf32>
        %neg3A_431 = arith.subf %neg3A_430, %add3A_429 : vector<16xf32>
        %jit3A_432 = arith.constant 0x7F800000 : f32
        %broadcast_in_dim3A_433 = vector.broadcast %jit3A_432 : f32 to vector<16xf32>
        %select_n3A_434 = arith.select %gt3A_367, %neg3A_431, %broadcast_in_dim3A_433 : vector<16xi1>, vector<16xf32>
        %sub3A_435 = arith.subf %add3A_364, %add3A_348 : vector<16xf32>
        %sub3A_436 = arith.constant 1.960000e+02 : f32
        %sub3A_437 = vector.broadcast %sub3A_436 : f32 to vector<16xf32>
        %sub3A_438 = arith.subf %sub3A_437, %add3A_356 : vector<16xf32>
        %div3A_439 = arith.divf %sub3A_435, %sub3A_438 : vector<16xf32>
        %sub3A_440 = arith.constant 1.000000e+00 : f32
        %sub3A_441 = vector.broadcast %sub3A_440 : f32 to vector<16xf32>
        %sub3A_442 = arith.subf %sub3A_441, %div3A_439 : vector<16xf32>
        %gt3A_443 = arith.constant 0.000000e+00 : f32
        %gt3A_444 = vector.broadcast %gt3A_443 : f32 to vector<16xf32>
        %gt3A_445 = arith.cmpf ogt, %sub3A_442, %gt3A_444 : vector<16xf32>
        %bitcast_convert_type3A_446 = tpu.bitcast %sub3A_442 : vector<16xf32> -> vector<16xi32>
        %shift_right_arithmetic3A_447 = arith.constant 23 : i32
        %shift_right_arithmetic3A_448 = vector.broadcast %shift_right_arithmetic3A_447 : i32 to vector<16xi32>
        %shift_right_arithmetic3A_449 = arith.shrsi %bitcast_convert_type3A_446, %shift_right_arithmetic3A_448 : vector<16xi32>
        %and3A_450 = arith.constant 255 : i32
        %and3A_451 = vector.broadcast %and3A_450 : i32 to vector<16xi32>
        %and3A_452 = arith.andi %shift_right_arithmetic3A_449, %and3A_451 : vector<16xi32>
        %sub3A_453 = arith.constant 127 : i32
        %sub3A_454 = vector.broadcast %sub3A_453 : i32 to vector<16xi32>
        %sub3A_455 = arith.subi %and3A_452, %sub3A_454 : vector<16xi32>
        %and3A_456 = arith.constant 8388607 : i32
        %and3A_457 = vector.broadcast %and3A_456 : i32 to vector<16xi32>
        %and3A_458 = arith.andi %bitcast_convert_type3A_446, %and3A_457 : vector<16xi32>
        %or3A_459 = arith.constant 1065353216 : i32
        %or3A_460 = vector.broadcast %or3A_459 : i32 to vector<16xi32>
        %or3A_461 = arith.ori %and3A_458, %or3A_460 : vector<16xi32>
        %bitcast_convert_type3A_462 = tpu.bitcast %or3A_461 : vector<16xi32> -> vector<16xf32>
        %gt3A_463 = arith.constant 1.41421354 : f32
        %gt3A_464 = vector.broadcast %gt3A_463 : f32 to vector<16xf32>
        %gt3A_465 = arith.cmpf ogt, %bitcast_convert_type3A_462, %gt3A_464 : vector<16xf32>
        %mul3A_466 = arith.constant 5.000000e-01 : f32
        %mul3A_467 = vector.broadcast %mul3A_466 : f32 to vector<16xf32>
        %mul3A_468 = arith.mulf %bitcast_convert_type3A_462, %mul3A_467 : vector<16xf32>
        %select_n3A_469 = arith.select %gt3A_465, %mul3A_468, %bitcast_convert_type3A_462 : vector<16xi1>, vector<16xf32>
        %convert_element_type3A_470 = arith.sitofp %sub3A_455 : vector<16xi32> to vector<16xf32>
        %jit3A_471 = arith.constant 1.000000e+00 : f32
        %jit3A_472 = arith.constant 0.000000e+00 : f32
        %broadcast_in_dim3A_473 = vector.broadcast %jit3A_471 : f32 to vector<16xf32>
        %broadcast_in_dim3A_474 = vector.broadcast %jit3A_472 : f32 to vector<16xf32>
        %select_n3A_475 = arith.select %gt3A_465, %broadcast_in_dim3A_473, %broadcast_in_dim3A_474 : vector<16xi1>, vector<16xf32>
        %add3A_476 = arith.addf %convert_element_type3A_470, %select_n3A_475 : vector<16xf32>
        %sub3A_477 = arith.constant 1.000000e+00 : f32
        %sub3A_478 = vector.broadcast %sub3A_477 : f32 to vector<16xf32>
        %sub3A_479 = arith.subf %select_n3A_469, %sub3A_478 : vector<16xf32>
        %add3A_480 = arith.constant 1.000000e+00 : f32
        %add3A_481 = vector.broadcast %add3A_480 : f32 to vector<16xf32>
        %add3A_482 = arith.addf %select_n3A_469, %add3A_481 : vector<16xf32>
        %div3A_483 = arith.divf %sub3A_479, %add3A_482 : vector<16xf32>
        %mul3A_484 = arith.mulf %div3A_483, %div3A_483 : vector<16xf32>
        %mul3A_485 = arith.constant 0.111111112 : f32
        %mul3A_486 = vector.broadcast %mul3A_485 : f32 to vector<16xf32>
        %mul3A_487 = arith.mulf %mul3A_484, %mul3A_486 : vector<16xf32>
        %add3A_488 = arith.constant 0.142857149 : f32
        %add3A_489 = vector.broadcast %add3A_488 : f32 to vector<16xf32>
        %add3A_490 = arith.addf %add3A_489, %mul3A_487 : vector<16xf32>
        %mul3A_491 = arith.mulf %mul3A_484, %add3A_490 : vector<16xf32>
        %add3A_492 = arith.constant 2.000000e-01 : f32
        %add3A_493 = vector.broadcast %add3A_492 : f32 to vector<16xf32>
        %add3A_494 = arith.addf %add3A_493, %mul3A_491 : vector<16xf32>
        %mul3A_495 = arith.mulf %mul3A_484, %add3A_494 : vector<16xf32>
        %add3A_496 = arith.constant 0.333333343 : f32
        %add3A_497 = vector.broadcast %add3A_496 : f32 to vector<16xf32>
        %add3A_498 = arith.addf %add3A_497, %mul3A_495 : vector<16xf32>
        %mul3A_499 = arith.mulf %mul3A_484, %add3A_498 : vector<16xf32>
        %add3A_500 = arith.constant 1.000000e+00 : f32
        %add3A_501 = vector.broadcast %add3A_500 : f32 to vector<16xf32>
        %add3A_502 = arith.addf %add3A_501, %mul3A_499 : vector<16xf32>
        %mul3A_503 = arith.constant 0.693147182 : f32
        %mul3A_504 = vector.broadcast %mul3A_503 : f32 to vector<16xf32>
        %mul3A_505 = arith.mulf %add3A_476, %mul3A_504 : vector<16xf32>
        %mul3A_506 = arith.constant 2.000000e+00 : f32
        %mul3A_507 = vector.broadcast %mul3A_506 : f32 to vector<16xf32>
        %mul3A_508 = arith.mulf %mul3A_507, %div3A_483 : vector<16xf32>
        %mul3A_509 = arith.mulf %mul3A_508, %add3A_502 : vector<16xf32>
        %add3A_510 = arith.addf %mul3A_505, %mul3A_509 : vector<16xf32>
        %neg3A_511 = arith.constant 0.000000e+00 : f32
        %neg3A_512 = vector.broadcast %neg3A_511 : f32 to vector<16xf32>
        %neg3A_513 = arith.subf %neg3A_512, %add3A_510 : vector<16xf32>
        %eq3A_514 = arith.constant 0.000000e+00 : f32
        %eq3A_515 = vector.broadcast %eq3A_514 : f32 to vector<16xf32>
        %eq3A_516 = arith.cmpf oeq, %sub3A_442, %eq3A_515 : vector<16xf32>
        %jit3A_517 = arith.constant 3.40282347E+38 : f32
        %jit3A_518 = arith.constant 0.000000e+00 : f32
        %broadcast_in_dim3A_519 = vector.broadcast %jit3A_517 : f32 to vector<16xf32>
        %broadcast_in_dim3A_520 = vector.broadcast %jit3A_518 : f32 to vector<16xf32>
        %select_n3A_521 = arith.select %eq3A_516, %broadcast_in_dim3A_519, %broadcast_in_dim3A_520 : vector<16xi1>, vector<16xf32>
        %select_n3A_522 = arith.select %gt3A_445, %neg3A_513, %select_n3A_521 : vector<16xi1>, vector<16xf32>
        %add3A_523 = arith.addf %scan3A_266, %select_n3A_434 : vector<16xf32>
        %add3A_524 = arith.addf %add3A_523, %select_n3A_522 : vector<16xf32>
        scf.yield %add3A_524 : vector<16xf32>
      }
      %scan3A_257 = arith.constant 8 : i32
      %mul3A_258 = arith.constant 9.765625E-4 : f32
      %mul3A_259 = vector.broadcast %mul3A_258 : f32 to vector<16xf32>
      %mul3A_260 = arith.mulf %scan3A_256, %mul3A_259 : vector<16xf32>
      %swap3A_261 = arith.constant 0 : index
      %swap3A_262 = tpu.vector_load %arg12[%swap3A_261] {strides = array<i32>} : memref<16xf32, #tpu.memory_space<vmem>>, vector<16xf32>,
      %swap3A_263 = vector.shape_cast %swap3A_262 : vector<16xf32> to vector<16xf32>
      %swap3A_264 = vector.shape_cast %mul3A_260 : vector<16xf32> to vector<16xf32>
      tpu.vector_store %arg12[%swap3A_261], %swap3A_264 {strides = array<i32>} : memref<16xf32, #tpu.memory_space<vmem>>, vector<16xf32>,
      "tpu.region"() ({
        %run_scoped3A_265 = tpu.sem_alloc : memref<!tpu.dma_semaphore, #tpu.memory_space<semaphore_mem>>
        %dma_start3A_266 = arith.constant 0 : i32
        %dma_start3A_267 = tpu.memref_slice %arg10[%arg1, %dma_start3A_266] : memref<8x128xf32, #tpu.memory_space<vmem_shared>> -> memref<1x16xf32, #tpu.memory_space<vmem_shared>>
        %dma_start3A_268 = tpu.memref_squeeze %dma_start3A_267 : memref<1x16xf32, #tpu.memory_space<vmem_shared>> -> memref<16xf32, #tpu.memory_space<vmem_shared>>
        %dma_start3A_269 = arith.constant 0 : i32
        %dma_start3A_270 = tpu.memref_slice %arg10[%arg1, %dma_start3A_269] : memref<8x128xf32, #tpu.memory_space<vmem_shared>> -> memref<1x16xf32, #tpu.memory_space<vmem_shared>>
        %dma_start3A_271 = tpu.memref_squeeze %dma_start3A_270 : memref<1x16xf32, #tpu.memory_space<vmem_shared>> -> memref<16xf32, #tpu.memory_space<vmem_shared>>
        tpu.enqueue_dma source(%arg12 : memref<16xf32, #tpu.memory_space<vmem>>) target(%dma_start3A_271 : memref<16xf32, #tpu.memory_space<vmem_shared>>) target_semaphore(%run_scoped3A_265 : memref<!tpu.dma_semaphore, #tpu.memory_space<semaphore_mem>>)
        %dma_wait3A_272 = arith.constant 0 : i32
        %dma_wait3A_273 = tpu.memref_slice %arg10[%arg1, %dma_wait3A_272] : memref<8x128xf32, #tpu.memory_space<vmem_shared>> -> memref<1x16xf32, #tpu.memory_space<vmem_shared>>
        %dma_wait3A_274 = tpu.memref_squeeze %dma_wait3A_273 : memref<1x16xf32, #tpu.memory_space<vmem_shared>> -> memref<16xf32, #tpu.memory_space<vmem_shared>>
        %dma_wait3A_275 = arith.constant 0 : i32
        %dma_wait3A_276 = tpu.memref_slice %arg10[%arg1, %dma_wait3A_275] : memref<8x128xf32, #tpu.memory_space<vmem_shared>> -> memref<1x16xf32, #tpu.memory_space<vmem_shared>>
        %dma_wait3A_277 = tpu.memref_squeeze %dma_wait3A_276 : memref<1x16xf32, #tpu.memory_space<vmem_shared>> -> memref<16xf32, #tpu.memory_space<vmem_shared>>
        tpu.wait_dma2 semaphore(%run_scoped3A_265 : memref<!tpu.dma_semaphore, #tpu.memory_space<semaphore_mem>>) src(%arg12 : memref<16xf32, #tpu.memory_space<vmem>>) dst(%dma_wait3A_277 : memref<16xf32, #tpu.memory_space<vmem_shared>>)
        tpu.yield
      }) : () -> ()
    } else {
    }
    %barrier3A_235 = arith.constant 0 : index
    tpu.barrier barrier_id(%barrier3A_235)
    %eq3A_236 = arith.constant 0 : i32
    %eq3A_237 = arith.cmpi eq, %arg1, %eq3A_236 : i32
    %convert_element_type3A_238 = arith.extui %eq3A_237 : i1 to i32
    %cond3A_239 = arith.constant 0 : i32
    %cond3A_240 = arith.cmpi ne, %convert_element_type3A_238, %cond3A_239 : i32
    scf.if %cond3A_240 {
      "tpu.region"() ({
        %run_scoped3A = tpu.sem_alloc : memref<!tpu.dma_semaphore, #tpu.memory_space<semaphore_mem>>
        tpu.enqueue_dma source(%arg10 : memref<8x128xf32, #tpu.memory_space<vmem_shared>>) target(%arg11 : memref<8x128xf32, #tpu.memory_space<vmem>>) target_semaphore(%run_scoped3A : memref<!tpu.dma_semaphore, #tpu.memory_space<semaphore_mem>>)
        tpu.wait_dma2 semaphore(%run_scoped3A : memref<!tpu.dma_semaphore, #tpu.memory_space<semaphore_mem>>) src(%arg10 : memref<8x128xf32, #tpu.memory_space<vmem_shared>>) dst(%arg11 : memref<8x128xf32, #tpu.memory_space<vmem>>)
        tpu.yield
      }) : () -> ()
      %get3A = arith.constant 0 : i32
      %get3A_241 = arith.index_cast %get3A : i32 to index
      %get3A_242 = arith.constant 0 : index
      %get3A_243 = tpu.vector_load %arg11[%get3A_241, %get3A_242] {strides = array<i32>} : memref<8x128xf32, #tpu.memory_space<vmem>>, vector<1x16xf32>,
      %get3A_244 = vector.shape_cast %get3A_243 : vector<1x16xf32> to vector<16xf32>
      %get3A_245 = arith.constant 1 : i32
      %get3A_246 = arith.index_cast %get3A_245 : i32 to index
      %get3A_247 = arith.constant 0 : index
      %get3A_248 = tpu.vector_load %arg11[%get3A_246, %get3A_247] {strides = array<i32>} : memref<8x128xf32, #tpu.memory_space<vmem>>, vector<1x16xf32>,
      %get3A_249 = vector.shape_cast %get3A_248 : vector<1x16xf32> to vector<16xf32>
      %add3A_250 = arith.addf %get3A_244, %get3A_249 : vector<16xf32>
      %get3A_251 = arith.constant 2 : i32
      %get3A_252 = arith.index_cast %get3A_251 : i32 to index
      %get3A_253 = arith.constant 0 : index
      %get3A_254 = tpu.vector_load %arg11[%get3A_252, %get3A_253] {strides = array<i32>} : memref<8x128xf32, #tpu.memory_space<vmem>>, vector<1x16xf32>,
      %get3A_255 = vector.shape_cast %get3A_254 : vector<1x16xf32> to vector<16xf32>
      %add3A_256 = arith.addf %add3A_250, %get3A_255 : vector<16xf32>
      %get3A_257 = arith.constant 3 : i32
      %get3A_258 = arith.index_cast %get3A_257 : i32 to index
      %get3A_259 = arith.constant 0 : index
      %get3A_260 = tpu.vector_load %arg11[%get3A_258, %get3A_259] {strides = array<i32>} : memref<8x128xf32, #tpu.memory_space<vmem>>, vector<1x16xf32>,
      %get3A_261 = vector.shape_cast %get3A_260 : vector<1x16xf32> to vector<16xf32>
      %add3A_262 = arith.addf %add3A_256, %get3A_261 : vector<16xf32>
      %iota3A = tpu.iota {dimensions = array<i32: 0>} : vector<16xi32>
      %add3A_263 = arith.constant 8 : i32
      %add3A_264 = vector.broadcast %add3A_263 : i32 to vector<16xi32>
      %add3A_265 = arith.addi %iota3A, %add3A_264 : vector<16xi32>
      %jit3A_266 = arith.constant 16 : i32
      %eq3A_267 = arith.constant 0 : i32
      %eq3A_268 = arith.cmpi eq, %jit3A_266, %eq3A_267 : i32
      %jit3A_269 = arith.constant 1 : i32
      %select_n3A_270 = arith.select %eq3A_268, %jit3A_269, %jit3A_266 : i32
      %rem3A_271 = vector.broadcast %select_n3A_270 : i32 to vector<16xi32>
      %rem3A_272 = arith.remsi %add3A_265, %rem3A_271 : vector<16xi32>
      %ne3A_273 = arith.constant 0 : i32
      %ne3A_274 = vector.broadcast %ne3A_273 : i32 to vector<16xi32>
      %ne3A_275 = arith.cmpi ne, %rem3A_272, %ne3A_274 : vector<16xi32>
      %lt3A_276 = arith.constant 0 : i32
      %lt3A_277 = vector.broadcast %lt3A_276 : i32 to vector<16xi32>
      %lt3A_278 = arith.cmpi slt, %rem3A_272, %lt3A_277 : vector<16xi32>
      %lt3A_279 = arith.constant 0 : i32
      %lt3A_280 = arith.cmpi slt, %select_n3A_270, %lt3A_279 : i32
      %ne3A_281 = vector.broadcast %lt3A_280 : i1 to vector<16xi1>
      %ne3A_282 = vector.broadcast %ne3A_281 : vector<16xi1> to vector<16xi1>
      %ne3A_283 = arith.xori %lt3A_278, %ne3A_282 : vector<16xi1>
      %and3A_284 = arith.andi %ne3A_283, %ne3A_275 : vector<16xi1>
      %add3A_285 = vector.broadcast %select_n3A_270 : i32 to vector<16xi32>
      %add3A_286 = arith.addi %rem3A_272, %add3A_285 : vector<16xi32>
      %select_n3A_287 = arith.select %and3A_284, %add3A_286, %rem3A_272 : vector<16xi1>, vector<16xi32>
      %broadcast_in_dim3A_288 = vector.shape_cast %select_n3A_287 : vector<16xi32> to vector<16x1xi32>
      %gather3A = vector.shape_cast %broadcast_in_dim3A_288 : vector<16x1xi32> to vector<16xi32>
      %gather3A_289 = tpu.dynamic_gather %add3A_262[%gather3A] in [0] : vector<16xf32>, vector<16xi32> -> vector<16xf32>
      %add3A_290 = arith.addf %add3A_262, %gather3A_289 : vector<16xf32>
      %iota3A_291 = tpu.iota {dimensions = array<i32: 0>} : vector<16xi32>
      %add3A_292 = arith.constant 4 : i32
      %add3A_293 = vector.broadcast %add3A_292 : i32 to vector<16xi32>
      %add3A_294 = arith.addi %iota3A_291, %add3A_293 : vector<16xi32>
      %jit3A_295 = arith.constant 16 : i32
      %eq3A_296 = arith.constant 0 : i32
      %eq3A_297 = arith.cmpi eq, %jit3A_295, %eq3A_296 : i32
      %jit3A_298 = arith.constant 1 : i32
      %select_n3A_299 = arith.select %eq3A_297, %jit3A_298, %jit3A_295 : i32
      %rem3A_300 = vector.broadcast %select_n3A_299 : i32 to vector<16xi32>
      %rem3A_301 = arith.remsi %add3A_294, %rem3A_300 : vector<16xi32>
      %ne3A_302 = arith.constant 0 : i32
      %ne3A_303 = vector.broadcast %ne3A_302 : i32 to vector<16xi32>
      %ne3A_304 = arith.cmpi ne, %rem3A_301, %ne3A_303 : vector<16xi32>
      %lt3A_305 = arith.constant 0 : i32
      %lt3A_306 = vector.broadcast %lt3A_305 : i32 to vector<16xi32>
      %lt3A_307 = arith.cmpi slt, %rem3A_301, %lt3A_306 : vector<16xi32>
      %lt3A_308 = arith.constant 0 : i32
      %lt3A_309 = arith.cmpi slt, %select_n3A_299, %lt3A_308 : i32
      %ne3A_310 = vector.broadcast %lt3A_309 : i1 to vector<16xi1>
      %ne3A_311 = vector.broadcast %ne3A_310 : vector<16xi1> to vector<16xi1>
      %ne3A_312 = arith.xori %lt3A_307, %ne3A_311 : vector<16xi1>
      %and3A_313 = arith.andi %ne3A_312, %ne3A_304 : vector<16xi1>
      %add3A_314 = vector.broadcast %select_n3A_299 : i32 to vector<16xi32>
      %add3A_315 = arith.addi %rem3A_301, %add3A_314 : vector<16xi32>
      %select_n3A_316 = arith.select %and3A_313, %add3A_315, %rem3A_301 : vector<16xi1>, vector<16xi32>
      %broadcast_in_dim3A_317 = vector.shape_cast %select_n3A_316 : vector<16xi32> to vector<16x1xi32>
      %gather3A_318 = vector.shape_cast %broadcast_in_dim3A_317 : vector<16x1xi32> to vector<16xi32>
      %gather3A_319 = tpu.dynamic_gather %add3A_290[%gather3A_318] in [0] : vector<16xf32>, vector<16xi32> -> vector<16xf32>
      %add3A_320 = arith.addf %add3A_290, %gather3A_319 : vector<16xf32>
      %iota3A_321 = tpu.iota {dimensions = array<i32: 0>} : vector<16xi32>
      %add3A_322 = arith.constant 2 : i32
      %add3A_323 = vector.broadcast %add3A_322 : i32 to vector<16xi32>
      %add3A_324 = arith.addi %iota3A_321, %add3A_323 : vector<16xi32>
      %jit3A_325 = arith.constant 16 : i32
      %eq3A_326 = arith.constant 0 : i32
      %eq3A_327 = arith.cmpi eq, %jit3A_325, %eq3A_326 : i32
      %jit3A_328 = arith.constant 1 : i32
      %select_n3A_329 = arith.select %eq3A_327, %jit3A_328, %jit3A_325 : i32
      %rem3A_330 = vector.broadcast %select_n3A_329 : i32 to vector<16xi32>
      %rem3A_331 = arith.remsi %add3A_324, %rem3A_330 : vector<16xi32>
      %ne3A_332 = arith.constant 0 : i32
      %ne3A_333 = vector.broadcast %ne3A_332 : i32 to vector<16xi32>
      %ne3A_334 = arith.cmpi ne, %rem3A_331, %ne3A_333 : vector<16xi32>
      %lt3A_335 = arith.constant 0 : i32
      %lt3A_336 = vector.broadcast %lt3A_335 : i32 to vector<16xi32>
      %lt3A_337 = arith.cmpi slt, %rem3A_331, %lt3A_336 : vector<16xi32>
      %lt3A_338 = arith.constant 0 : i32
      %lt3A_339 = arith.cmpi slt, %select_n3A_329, %lt3A_338 : i32
      %ne3A_340 = vector.broadcast %lt3A_339 : i1 to vector<16xi1>
      %ne3A_341 = vector.broadcast %ne3A_340 : vector<16xi1> to vector<16xi1>
      %ne3A_342 = arith.xori %lt3A_337, %ne3A_341 : vector<16xi1>
      %and3A_343 = arith.andi %ne3A_342, %ne3A_334 : vector<16xi1>
      %add3A_344 = vector.broadcast %select_n3A_329 : i32 to vector<16xi32>
      %add3A_345 = arith.addi %rem3A_331, %add3A_344 : vector<16xi32>
      %select_n3A_346 = arith.select %and3A_343, %add3A_345, %rem3A_331 : vector<16xi1>, vector<16xi32>
      %broadcast_in_dim3A_347 = vector.shape_cast %select_n3A_346 : vector<16xi32> to vector<16x1xi32>
      %gather3A_348 = vector.shape_cast %broadcast_in_dim3A_347 : vector<16x1xi32> to vector<16xi32>
      %gather3A_349 = tpu.dynamic_gather %add3A_320[%gather3A_348] in [0] : vector<16xf32>, vector<16xi32> -> vector<16xf32>
      %add3A_350 = arith.addf %add3A_320, %gather3A_349 : vector<16xf32>
      %iota3A_351 = tpu.iota {dimensions = array<i32: 0>} : vector<16xi32>
      %add3A_352 = arith.constant 1 : i32
      %add3A_353 = vector.broadcast %add3A_352 : i32 to vector<16xi32>
      %add3A_354 = arith.addi %iota3A_351, %add3A_353 : vector<16xi32>
      %jit3A_355 = arith.constant 16 : i32
      %eq3A_356 = arith.constant 0 : i32
      %eq3A_357 = arith.cmpi eq, %jit3A_355, %eq3A_356 : i32
      %jit3A_358 = arith.constant 1 : i32
      %select_n3A_359 = arith.select %eq3A_357, %jit3A_358, %jit3A_355 : i32
      %rem3A_360 = vector.broadcast %select_n3A_359 : i32 to vector<16xi32>
      %rem3A_361 = arith.remsi %add3A_354, %rem3A_360 : vector<16xi32>
      %ne3A_362 = arith.constant 0 : i32
      %ne3A_363 = vector.broadcast %ne3A_362 : i32 to vector<16xi32>
      %ne3A_364 = arith.cmpi ne, %rem3A_361, %ne3A_363 : vector<16xi32>
      %lt3A_365 = arith.constant 0 : i32
      %lt3A_366 = vector.broadcast %lt3A_365 : i32 to vector<16xi32>
      %lt3A_367 = arith.cmpi slt, %rem3A_361, %lt3A_366 : vector<16xi32>
      %lt3A_368 = arith.constant 0 : i32
      %lt3A_369 = arith.cmpi slt, %select_n3A_359, %lt3A_368 : i32
      %ne3A_370 = vector.broadcast %lt3A_369 : i1 to vector<16xi1>
      %ne3A_371 = vector.broadcast %ne3A_370 : vector<16xi1> to vector<16xi1>
      %ne3A_372 = arith.xori %lt3A_367, %ne3A_371 : vector<16xi1>
      %and3A_373 = arith.andi %ne3A_372, %ne3A_364 : vector<16xi1>
      %add3A_374 = vector.broadcast %select_n3A_359 : i32 to vector<16xi32>
      %add3A_375 = arith.addi %rem3A_361, %add3A_374 : vector<16xi32>
      %select_n3A_376 = arith.select %and3A_373, %add3A_375, %rem3A_361 : vector<16xi1>, vector<16xi32>
      %broadcast_in_dim3A_377 = vector.shape_cast %select_n3A_376 : vector<16xi32> to vector<16x1xi32>
      %gather3A_378 = vector.shape_cast %broadcast_in_dim3A_377 : vector<16x1xi32> to vector<16xi32>
      %gather3A_379 = tpu.dynamic_gather %add3A_350[%gather3A_378] in [0] : vector<16xf32>, vector<16xi32> -> vector<16xf32>
      %add3A_380 = arith.addf %add3A_350, %gather3A_379 : vector<16xf32>
      %swap3A_381 = arith.constant 0 : i32
      %swap3A_382 = arith.index_cast %swap3A_381 : i32 to index
      %swap3A_383 = arith.constant 0 : index
      %swap3A_384 = tpu.vector_load %arg13[%swap3A_382, %swap3A_383] {strides = array<i32>} : memref<8x128xf32, #tpu.memory_space<vmem>>, vector<1x16xf32>,
      %swap3A_385 = vector.shape_cast %swap3A_384 : vector<1x16xf32> to vector<16xf32>
      %swap3A_386 = vector.shape_cast %add3A_380 : vector<16xf32> to vector<1x16xf32>
      tpu.vector_store %arg13[%swap3A_382, %swap3A_383], %swap3A_386 {strides = array<i32>} : memref<8x128xf32, #tpu.memory_space<vmem>>, vector<1x16xf32>,
      %mul3A_387 = arith.constant 8 : i32
      %mul3A_388 = arith.muli %arg0, %mul3A_387 : i32
      %multiple_of3A_389 = tpu.assume_multiple %mul3A_388, 8 : i32
      "tpu.region"() ({
        %run_scoped3A = tpu.sem_alloc : memref<!tpu.dma_semaphore, #tpu.memory_space<semaphore_mem>>
        %dma_start3A_390 = arith.constant 0 : i32
        %dma_start3A_391 = tpu.memref_slice %arg4[%multiple_of3A_389, %dma_start3A_390] : memref<16x128xf32, #tpu.memory_space<hbm>> -> memref<8x128xf32, #tpu.memory_space<hbm>>
        %dma_start3A_392 = arith.constant 0 : i32
        %dma_start3A_393 = tpu.memref_slice %arg4[%multiple_of3A_389, %dma_start3A_392] : memref<16x128xf32, #tpu.memory_space<hbm>> -> memref<8x128xf32, #tpu.memory_space<hbm>>
        tpu.enqueue_dma source(%arg13 : memref<8x128xf32, #tpu.memory_space<vmem>>) target(%dma_start3A_393 : memref<8x128xf32, #tpu.memory_space<hbm>>) target_semaphore(%run_scoped3A : memref<!tpu.dma_semaphore, #tpu.memory_space<semaphore_mem>>)
        %dma_wait3A_394 = arith.constant 0 : i32
        %dma_wait3A_395 = tpu.memref_slice %arg4[%multiple_of3A_389, %dma_wait3A_394] : memref<16x128xf32, #tpu.memory_space<hbm>> -> memref<8x128xf32, #tpu.memory_space<hbm>>
        %dma_wait3A_396 = arith.constant 0 : i32
        %dma_wait3A_397 = tpu.memref_slice %arg4[%multiple_of3A_389, %dma_wait3A_396] : memref<16x128xf32, #tpu.memory_space<hbm>> -> memref<8x128xf32, #tpu.memory_space<hbm>>
        tpu.wait_dma2 semaphore(%run_scoped3A : memref<!tpu.dma_semaphore, #tpu.memory_space<semaphore_mem>>) src(%arg13 : memref<8x128xf32, #tpu.memory_space<vmem>>) dst(%dma_wait3A_397 : memref<8x128xf32, #tpu.memory_space<hbm>>)
        tpu.yield
      }) : () -> ()
    } else {
    }
    return
  }
}

</mosaic_0001>

<sc_bundles>
// kernel: kernel.3.cloned.1.call-start
scs
__scs_entry_jumppad:
0x0: {  	(pc) =	sbr.rel $0x88, $3  }
0x1: {  	(tag) =	ssettag $0x0;
	lr =	simm.s32 $0x1  }
0x2: {  	[smem:$0x3F9F] =	sst lr;
	_ =	strace $0xD0000000  }
0x3: {  	_ = 	snop  }
0x4: {  	_ = 	snop  }
0x5: {  	_ = 	snop  }
0x6: {  	_ = 	snop  }
0x7: {  	_ = 	snop  }
__scs_overlays_trampoline_lowered:
0x8: {  	[smem:$0x3FAE] =	sst s0  }
0x9: {  	[smem:$0x3FAF] =	sst s1  }
0xa: {  	[smem:$0x3FB0] =	sst s2  }
0xb: {  	[smem:$0x3FB1] =	sst s3  }
0xc: {  	[smem:$0x3FB2] =	sst s4  }
0xd: {  	[smem:$0x3FB3] =	sst s5  }
0xe: {  	[smem:$0x3FB4] =	sst s6  }
0xf: {  	[smem:$0x3FB5] =	sst s7  }
0x10: {  	[smem:$0x3FB6] =	sst s8  }
0x11: {  	[smem:$0x3FB7] =	sst s9;
	s0 =	simm.s32 @!p0 $0x0  }
0x12: {  	s1 =	sld [smem:$0x3F9D];
	s0 =	simm.s32 @p0 $0x1  }
0x13: {  	[smem:$0x3FB8] =	sst s0;
	s0 =	simm.s32 @!p1 $0x0  }
0x14: {  	s2 =	sld [smem:$0x3F9C];
	s0 =	simm.s32 @p1 $0x1  }
0x15: {  	[smem:$0x3FB9] =	sst s0;
	s0 =	simm.s32 @!p2 $0x0  }
0x16: {  	s3 =	sld [smem:$0x3FDB];
	s0 =	simm.s32 @p2 $0x1  }
0x17: {  	s4 =	simm.s32 $0x1BF5;
	[smem:$0x3FBB] =	sst s0  }
0x18: {  	s0 =	sld [smem:$0x3F9E];
	_ =	swait.ge [sflag:s4], $0x0  }
0x19: {  	s7 =	sld [smem:$0x3F9F]  }
0x1a: {  	s8 =	sadd.s32 $0xFFFFE003, lr  }
0x1b: {  	s9 =	sadd.s32 $0xFFFFFEF7, lr;
	s5 =	simm.s32 $0xFFFFFFFF;
	p2 =	slt.u32 s8, $0xFFFFF086  }
0x1c: {  	p1 =	slt.u32 s9, $0xF7A;
	s5 =	simm.s32 @!p2 $0x0  }
0x1d: {  	s5 =	simm.s32 @p1 $0x1;
	p0 =	seq.s32 s7, s2  }
0x1e: {  	s7 =	smul.u32 @!p0 $0xF7A, s2;
	p2 =	seq.s32 @!p0 s5, $0x0  }
0x1f: {  	s9 =	smul.u32 $0xF7A, s1;
	s8 =	simm.s32 @!p0 $0x1BF5;
	p2 =	por !p2, p0  }
0x20: {  	[sflag:s8] =	ssyncset.s32 @!p0 $0xFFFFF086;
	s6 =	sadd.s32 @!p0 s3, s7;
	s7 =	simm.s32 @!p0 $0x108  }
0x21: {  	s3 =	sadd.s32 s3, s9;
	s6 =	sadd.s32 @!p0 $0x88, s6;
	s7 =	simm.s32 @p2 $0x1082  }
0x22: {  	[simem:s7], [sflag:s8] =	dma.local @!p0 [hbm:s6], $0xF7A  }
0x23: {  	s9 =	sor.u32 $0xD0000000, s2;
	s6 =	simm.s32 $0x108;
	_ =	swait.ge @!p0 [sflag:s8], $0x0  }
0x24: {  	s3 =	sadd.s32 $0x88, s3;
	s6 =	simm.s32 @!p1 $0x1082;
	[sflag:s4] =	ssyncset.s32 $0xFFFFF086  }
0x25: {  	[simem:s6], [sflag:s4] =	dma.local [hbm:s3], $0xF7A  }
0x26: {  	[smem:$0x3F9F] =	sst s1;
	(tag) =	ssettag s2;
	_ =	strace s9  }
0x27: {  	s1 =	sld [smem:$0x3FAF]  }
0x28: {  	s2 =	sld [smem:$0x3FB0]  }
0x29: {  	s4 =	sld [smem:$0x3FB2]  }
0x2a: {  	p0 =	seq.s32 s5, $0x0;
	s5 =	sld [smem:$0x3FB3]  }
0x2b: {  	s6 =	sld [smem:$0x3FB4]  }
0x2c: {  	s7 =	sld [smem:$0x3FB5]  }
0x2d: {  	s3 =	simm.s32 $0x108;
	s8 =	sld [smem:$0x3FB6]  }
0x2e: {  	s3 =	simm.s32 @!p0 $0x1082;
	s9 =	sld [smem:$0x3FB7]  }
0x2f: {  	lr =	sadd.s32 s0, s3;
	s0 =	sld [smem:$0x3FAE]  }
0x30: {  	s3 =	sld [smem:$0x3FB1]  }
0x31: {  	[smem:$0x3FBA] =	sst s10  }
0x32: {  	s10 =	sld [smem:$0x3FB8];
	_ =	sdelay $0x3  }
0x33: {  	p0 =	seq.s32 s10, $0x1;
	s10 =	sld [smem:$0x3FBA];
	_ =	sdelay $0x3  }
0x34: {  	[smem:$0x3FBA] =	sst s10  }
0x35: {  	s10 =	sld [smem:$0x3FB9];
	_ =	sdelay $0x3  }
0x36: {  	p1 =	seq.s32 s10, $0x1;
	s10 =	sld [smem:$0x3FBA];
	_ =	sdelay $0x3  }
0x37: {  	[smem:$0x3FBA] =	sst s10  }
0x38: {  	s10 =	sld [smem:$0x3FBB]  }
0x39: {  	_ = 	snop;
	(pc) =	sbr.ind lr, $3  }
0x3a: {  	_ = 	snop  }
0x3b: {  	_ = 	snop  }
0x3c: {  	p2 =	seq.s32 s10, $0x1;
	s10 =	sld [smem:$0x3FBA]  }
0x3d: {  	_ =	shalt  }
0x3e: {  	_ =	shalt  }
0x3f: {  	_ =	shalt  }
0x40: {  	_ =	shalt  }
0x41: {  	_ =	shalt  }
0x42: {  	_ =	shalt  }
0x43: {  	_ =	shalt  }
0x44: {  	_ =	shalt  }
0x45: {  	_ =	shalt  }
0x46: {  	_ =	shalt  }
0x47: {  	_ =	shalt  }
0x48: {  	_ =	shalt  }
0x49: {  	_ =	shalt  }
0x4a: {  	_ =	shalt  }
0x4b: {  	_ =	shalt  }
0x4c: {  	_ =	shalt  }
0x4d: {  	_ =	shalt  }
0x4e: {  	_ =	shalt  }
0x4f: {  	_ =	shalt  }
0x50: {  	_ =	shalt  }
0x51: {  	_ =	shalt  }
0x52: {  	_ =	shalt  }
0x53: {  	_ =	shalt  }
0x54: {  	_ =	shalt  }
0x55: {  	_ =	shalt  }
0x56: {  	_ =	shalt  }
0x57: {  	_ =	shalt  }
0x58: {  	_ =	shalt  }
0x59: {  	_ =	shalt  }
0x5a: {  	_ =	shalt  }
0x5b: {  	_ =	shalt  }
0x5c: {  	_ =	shalt  }
0x5d: {  	_ =	shalt  }
0x5e: {  	_ =	shalt  }
0x5f: {  	_ =	shalt  }
0x60: {  	_ =	shalt  }
0x61: {  	_ =	shalt  }
0x62: {  	_ =	shalt  }
0x63: {  	_ =	shalt  }
0x64: {  	_ =	shalt  }
0x65: {  	_ =	shalt  }
0x66: {  	_ =	shalt  }
0x67: {  	_ =	shalt  }
0x68: {  	_ =	shalt  }
0x69: {  	_ =	shalt  }
0x6a: {  	_ =	shalt  }
0x6b: {  	_ =	shalt  }
0x6c: {  	_ =	shalt  }
0x6d: {  	_ =	shalt  }
0x6e: {  	_ =	shalt  }
0x6f: {  	_ =	shalt  }
0x70: {  	_ =	shalt  }
0x71: {  	_ =	shalt  }
0x72: {  	_ =	shalt  }
0x73: {  	_ =	shalt  }
0x74: {  	_ =	shalt  }
0x75: {  	_ =	shalt  }
0x76: {  	_ =	shalt  }
0x77: {  	_ =	shalt  }
0x78: {  	_ =	shalt  }
0x79: {  	_ =	shalt  }
0x7a: {  	_ =	shalt  }
0x7b: {  	_ =	shalt  }
0x7c: {  	_ =	shalt  }
0x7d: {  	_ =	shalt  }
0x7e: {  	_ =	shalt  }
0x7f: {  	_ =	shalt  }
0x80: {  	_ =	shalt  }
0x81: {  	_ =	shalt  }
0x82: {  	_ =	shalt  }
0x83: {  	_ =	shalt  }
0x84: {  	_ =	shalt  }
0x85: {  	_ =	shalt  }
0x86: {  	_ =	shalt  }
0x87: {  	_ =	shalt  }
.Lfunc_end0:
.L_simem_size_0:
called_computation_lowered:
.L_overlay_start_0:
0x88: {  	s2 =	sld [smem:$0x3FD9]  }
0x89: {  	s3 =	sld [smem:$0x3FFE];
	_ =	sdelay $0x1  }
0x8a: {  	s1 =	srdreg.scid  }
0x8b: {  	s0 =	sand.u32 $0x1, s1  }
0x8c: {  	s17 =	sshll.u32 s0, $0xA;
	s2 =	sadd.s32 s3, s2  }
0x8d: {  	s2 =	sadd.s32 s2, s17  }
0x8e: {  	[smem:$0x3FC6] =	sst s2  }
0x8f: {  	_ = 	snop  }
0x90: {  	s2 =	sld [smem:$0x3FC9]  }
0x91: {  	s18 =	sld [smem:$0x3FC8];
	(tm) =	ssettm $0x1  }
0x92: {  	s4 =	sld [smem:$0x3FFB];
	_ =	sdelay $0x3  }
0x93: {  	_ =	strace s4  }
0x94: {  	s4 =	sld [smem:$0x3FFC];
	_ =	sdelay $0x3  }
0x95: {  	_ =	strace s4  }
0x96: {  	s4 =	sld [smem:$0x3FFD];
	_ =	sdelay $0x3  }
0x97: {  	_ =	strace s4  }
0x98: {  	_ =	strace $0x8FFFFFFF  }
0x99: {  	s19 =	sld [smem:$0x3FDB];
	_ =	sdelay $0x1  }
0x9a: {  	s5 =	simm.s32 $_scs_section_size  }
0x9b: {  	s6 =	simm.s32 $_size__tile_overlayer_lowered;
	s7 =	simm.s32 $_tile_overlayer_lowered  }
0x9c: {  	s22 =	simm.s32 $0x1BFF;
	s21 =	sshll.u32 s7, $0x1;
	s4 =	sadd.s32 s5, s19  }
0x9d: {  	s8 =	simm.s32 $0x0;
	s20 =	sshll.u32 s6, $0x1;
	s6 =	sadd.s32 s21, s4  }
0x9e: {  	[timem:s8], [sflag:s22] =	dma.local [hbm:s6], s20  }
0x9f: {  	_ =	swait.ge [sflag:s22], s20  }
0xa0: {  	s5 =	ssub.s32 $0x0, s20;
	[sflag:s22] =	ssyncset.done $0x0  }
0xa1: {  	[sflag:s22] =	ssyncadd.s32 s5;
	_ =	sdelay $0x1  }
0xa2: {  	s23 =	simm.s32 $0x1B8B  }
0xa3: {  	_ =	swait.ge [sflag:s23], $0x1  }
0xa4: {  	[sflag:s23] =	ssyncset.done $0x0  }
0xa5: {  	s25 =	simm.s32 $0x1B8E;
	s24 =	sld [smem:$0x3FFE];
	[sflag:s23] =	ssyncadd.s32 $0xFFFFFFFF  }
0xa6: {  	s26 =	simm.s32 $execute0_lowered;
	[smem:$0x3FD2] =	sst s25  }
0xa7: {  	s6 =	sshll.u32 s26, $0x1;
	_ =	strace $0x80000046;
	[dreg:$0x1] =	wrdreg $0xFFFFFFFF  }
0xa8: {  	s28 =	simm.s32 $_size_execute0_lowered;
	s4 =	sadd.s32 s4, s6;
	[dreg:$0x0] =	wrdreg $0x0  }
0xa9: {  	s6 =	sshll.u32 s28, $0x1;
	[dreg:$0x2] =	wrdreg s4  }
0xaa: {  	[dreg:$0x3] =	wrdreg s6  }
0xab: {  	[dreg:$0x4] =	wrdreg $0xC0  }
0xac: {  	_ =	task [dreg:s8], $0x5FFFF  }
0xad: {  	[dreg:$0x1] =	wrdreg $0xFFFFFFFF  }
0xae: {  	[dreg:$0x0] =	wrdreg $0x60  }
0xaf: {  	[dreg:$0x2] =	wrdreg s2  }
0xb0: {  	[dreg:$0x3] =	wrdreg s18  }
0xb1: {  	[dreg:$0x4] =	wrdreg s24  }
0xb2: {  	[dreg:$0x5] =	wrdreg $0x104000  }
0xb3: {  	[dreg:$0x6] =	wrdreg $0x118000  }
0xb4: {  	[dreg:$0x7] =	wrdreg $0x9  }
0xb5: {  	_ =	task.clear_ibuf [dreg:s8], $0x8FFFF;
	_ =	strace $0x90000046  }
0xb6: {  	s29 =	simm.s32 $0x9;
	_ =	strace $0x80000048  }
0xb7: {  	_ =	swait.ge [sflag:s29], $0x1  }
0xb8: {  	[sflag:s29] =	ssyncadd.s32 $0xFFFFFFFF  }
0xb9: {  	_ =	strace $0x90000048  }
0xba: {  	_ =	sfence  }
0xbb: {  	s30 =	sld [smem:$0x0];
	_ =	sdelay $0x2  }
0xbc: {  	s31 =	sshll.u32 s1, $0xD;
	s1 =	sshrl.u32 s1, $0x2  }
0xbd: {  	s3 =	sand.u32 $0x4000, s31;
	s1 =	sadd.s32 s1, s30  }
0xbe: {  	s0 =	sor.u32 s3, s0;
	s1 =	sshll.u32 s1, $0x11  }
0xbf: {  	s0 =	sor.u32 s1, s0  }
0xc0: {  	s0 =	sadd.s32 $0x8F2B, s0  }
0xc1: {  	[sflag:s0] =	ssyncadd.remote.s32 $0x1  }
0xc2: {  	_ =	sfence.sel $0xFFFF  }
0xc3: {  	[dreg:$0x0] =	wrdreg $0xFFFFFFFF;
	(pc) =	sbr.abs _section_cstart, $3  }
0xc4: {  	[dreg:$0x1] =	wrdreg $0xFFFFFFFF  }
0xc5: {  	_ =	task.clear_ibuf [dreg:s8], $0x2FFFF;
	_ =	strace $0x9FFFFFFF  }
0xc6: {  	(tm) =	ssettm $0x7FFFFFFF  }
0xc7: {  	_ =	shalt  }
tec
execute0_lowered:
.L_overlay_start_1:
0x0: {  	(tag) =	ssettag $0x1  }
0x1: {  	s0 =	rddreg [dreg:$0x0]  }
0x2: {  	s1 =	rddreg [dreg:$0x1]  }
0x3: {  	s5 =	rddreg [dreg:$0x2]  }
0x4: {  	s6 =	rddreg [dreg:$0x3]  }
0x5: {  	s8 =	stileid.u32;
	s16 =	rddreg [dreg:$0x4];
	s3 =	simm.s32 $0x0  }
0x6: {  	s7 =	srdreg.scid;
	s28 =	simm.s32 $0x1400;
	s29 =	simm.s32 $0x1C00  }
0x7: {  	s30 =	simm.s32 $0x1;
	s31 =	simm.s32 $0x2;
	s9 =	sshrl.u32 s8, $0x2  }
0x8: {  	[smem:$0x7FF] =	sst s3;
	s7 =	sand.u32 $0x1, s7;
	s23 =	sshll.u32 s8, $0xA  }
0x9: {  	s21 =	sshll.u32 s8, $0x7;
	p1 =	slt.u32 s8, $0x4;
	p0 =	sne.s32 s8, $0x0  }
0xa: {  	s2 =	smul.u32 $0x31, s9;
	_ =	strace $0x80000047;
	s11 =	sshll.u32 s7, $0x7  }
0xb: {  	s24 =	sshll.u32 s7, $0xC;
	s13 =	sand.u32 $0xC00, s23;
	s7 =	ssub.s32 $0x2, s7  }
0xc: {  	s6 =	sadd.s32 s23, s6;
	s22 =	smul.u32 $0x31000, s9;
	s12 =	sadd.s32 s11, s5  }
0xd: {  	s5 =	sor.u32 s24, s13;
	s15 =	sshrl.u32 s7, $0x1;
	s4 =	sshrl.u32 s2, $0x1  }
0xe: {  	s18 =	sadd.s32 $0x1000, s6;
	s19 =	sadd.s32 $0x2000, s6;
	s10 =	smul.u32 $0x93, s4  }
0xf: {  	s20 =	sadd.s32 $0x3000, s6;
	s11 =	sadd.s32 s21, s16;
	s24 =	smul.u32 $0x6200, s9  }
0x10: {  	s26 =	ssub.s32 s7, s15;
	[dreg:$0x7] =	wrdreg s18;
	s10 =	sshrl.u32 s10, $0xA  }
0x11: {  	[dreg:$0x8] =	wrdreg s19;
	s14 =	smul.u32 $0x38000, s10;
	s25 =	sshll.u32 s10, $0xE  }
0x12: {  	[dreg:$0x9] =	wrdreg s20;
	s12 =	sadd.s32 $0x600, s12;
	s13 =	sor.u32 s5, s25  }
0x13: {  	s23 =	smul.u32 $0xE000, s10;
	s5 =	sor.u32 s5, s14;
	s13 =	sshrl.u32 s13, $0x3  }
0x14: {  	s25 =	sshll.u32 s10, $0xD;
	s15 =	sadd.s32 $0x2AE2000, s5;
	s5 =	sadd.s32 s0, s13  }
0x15: {  	s13 =	smax.u32 s26, $0x1;
	s0 =	ssub.s32 s22, s23;
	s22 =	simm.s32 $0x0  }
0x16: {  	s17 =	sshrl.u32 s15, $0x3;
	s14 =	sadd.s32 $0x800, s5;
	s15 =	sadd.s32 $0x1000, s5  }
.Ltmp0:
0x17: {  	s16 =	sadd.s32 $0x1800, s5;
	s18 =	sadd.s32 $0xC00, s5;
	(pc) =	sbr.rel .LBB2_1-.Ltmp0, $4  }
0x18: {  	s0 =	sor.u32 $0xDC0, s0;
	s19 =	sadd.s32 $0x1400, s5;
	s20 =	sadd.s32 $0x1C00, s5  }
0x19: {  	s7 =	sadd.s32 s1, s17;
	s0 =	sshra.s32 s0, $0x2;
	s1 =	ssub.s32 s24, s25  }
0x1a: {  	s17 =	sadd.s32 $0x400, s5;
	s24 =	sadd.s32 $0x2000, s0;
	s26 =	sshra.s32 s1, $0x2  }
0x1b: {  	v0 =	vimm.f32 $0.0e+00;
	s0 =	simm.s32 $0x10000;
	s1 =	simm.s32 $0x3;
	[dreg:$0x6] =	wrdreg s26  }
.LBB2_6:
0x1c: {  	[bflag:$0x0] =	sbarrier.arrive $0xFFFF  }
.LBB2_10:
0x1d: {  	s22 =	sadd.s32 $0x1, s22  }
0x1e: {  	p2 =	sne.s32 s22, s13  }
.Ltmp1:
0x1f: {  	_ = 	snop;
	(pc) =	sbr.rel @!p2 .LBB2_11-.Ltmp1, $1  }
0x20: {  	_ =	sdelay $0x3  }
.LBB2_1:
0x21: {  	[tilespmem:s3], [sflag:$0x1] =	stream.linear.gather [hbm4b:s5+s3], $0x400, $0x38;
	[tilespmem:$0x120C0] =	vst v63  }
0x22: {  	s8 =	simm.s32 $0x800  }
0x23: {  	[tilespmem:s8], [sflag:$0x1] =	stream.linear.gather [hbm4b:s14+s3], $0x400, $0x38;
	[tilespmem:$0x120C0] =	vst v63  }
0x24: {  	s21 =	simm.s32 $0x1000  }
0x25: {  	[tilespmem:s21], [sflag:$0x1] =	stream.linear.gather [hbm4b:s15+s3], $0x400, $0x38;
	[tilespmem:$0x120C0] =	vst v63  }
0x26: {  	s23 =	simm.s32 $0x1800  }
0x27: {  	[tilespmem:s23], [sflag:$0x1] =	stream.linear.gather [hbm4b:s16+s3], $0x400, $0x38;
	[tilespmem:$0x120C0] =	vst v63  }
0x28: {  	s25 =	simm.s32 $0x400  }
0x29: {  	[tilespmem:s25], [sflag:$0x1] =	stream.linear.gather [hbm4b:s17+s3], $0x300, $0x38;
	[tilespmem:$0x120C0] =	vst v63  }
0x2a: {  	s26 =	simm.s32 $0xC00  }
0x2b: {  	[tilespmem:s26], [sflag:$0x1] =	stream.linear.gather [hbm4b:s18+s3], $0x300, $0x38;
	[tilespmem:$0x120C0] =	vst v63  }
0x2c: {  	s9 =	simm.s32 $0x800  }
0x2d: {  	[tilespmem:s28], [sflag:$0x1] =	stream.linear.gather [hbm4b:s19+s3], $0x300, $0x38;
	[tilespmem:$0x120C0] =	vst v63  }
0x2e: {  	s10 =	simm.s32 $0x2400;
	s8 =	simm.s32 $0x2000;
	s21 =	sadd.s32 $0x0, s7  }
0x2f: {  	[tilespmem:s29], [sflag:$0x1] =	stream.linear.gather [hbm4b:s20+s3], $0x300, $0x38;
	[tilespmem:$0x120C0] =	vst v63  }
.LBB2_2:
0x30: {  	[tilespmem:s8], [sflag:$0x2] =	stream.linear.gather [hbm4b:s21+s3], $0x380, $0x38;
	[tilespmem:$0x120C0] =	vst v63  }
0x31: {  	s21 =	smov.u32 s9;
	s8 =	smov.u32 s10;
	p2 =	sne.s32 s9, $0x1B800  }
.Ltmp2:
0x32: {  	s9 =	sadd.s32 $0x800, s9;
	(pc) =	sbr.rel @p2 .LBB2_2-.Ltmp2, $2  }
0x33: {  	_ =	sdelay $0x2  }
0x34: {  	s10 =	sadd.s32 $0x400, s10;
	s21 =	sadd.s32 s21, s7  }
0x35: {  	[tilespmem:s8], [sflag:$0x2] =	stream.linear.gather [hbm4b:s21+s3], $0x380, $0x38;
	[tilespmem:$0x120C0] =	vst v63  }
0x36: {  	_ =	swait.ge [sflag:s30], $0x1C00  }
0x37: {  	[sflag:s30] =	ssyncset.done $0x0  }
0x38: {  	[sflag:s30] =	ssyncadd.s32 $0xFFFFE400  }
0x39: {  	_ =	swait.ge [sflag:s31], $0xC400  }
0x3a: {  	[sflag:s31] =	ssyncset.done $0x0  }
0x3b: {  	[sflag:s31] =	ssyncadd.s32 $0xFFFF3C00  }
0x3c: {  	v1 =	vld [tilespmem:s24+$0x0]  }
0x3d: {  	s26 =	smulhi.u32 $0x92492493, s4;
	v2 =	vld [tilespmem:s24+$0xFFFFFF90]  }
0x3e: {  	v4 =	vld [tilespmem:s24+$0xFFFFFFA0]  }
0x3f: {  	s8 =	sshll.u32 s26, $0x6;
	v5 =	vld [tilespmem:s24+$0xFFFFFFB0]  }
0x40: {  	v13 =	vimm.f32 $0.0e+00;
	s8 =	sand.u32 $0x3FFFFF00, s8;
	s9 =	rddreg [dreg:$0x6];
	v6 =	vld [tilespmem:s24+$0xFFFFFFC0]  }
0x41: {  	v9 =	vimm.f32 $0.0e+00;
	v22 =	vimm.f32 $0.0e+00;
	v11 =	vimm.f32 $0.0e+00;
	s8 =	sadd.s32 s9, s8;
	v7 =	vld [tilespmem:s24+$0xFFFFFFD0]  }
0x42: {  	v20 =	vimm.f32 $0.0e+00;
	v25 =	vimm.f32 $0.0e+00;
	v23 =	vimm.f32 $0.0e+00;
	s23 =	sadd.s32 $0x0, s8  }
0x43: {  	v21 =	vimm.f32 $0.0e+00;
	v14 =	vimm.f32 $0.0e+00;
	v18 =	vimm.f32 $0.0e+00;
	v3 =	vld [tilespmem:s23+$0x70]  }
0x44: {  	v19 =	vimm.f32 $0.0e+00;
	v1 =	vcvt.s32.f32 v1;
	v30 =	vcvt.s32.f32 v2  }
0x45: {  	v16 =	vimm.f32 $0.0e+00;
	v31 =	vcvt.s32.f32 v4;
	v28 =	vcvt.s32.f32 v5  }
0x46: {  	v12 =	vimm.f32 $0.0e+00;
	v29 =	vld [tilespmem:s24+$0xFFFFFFE0];
	v27 =	vcvt.s32.f32 v6;
	v24 =	vcvt.s32.f32 v7  }
0x47: {  	v26 =	vld [tilespmem:s24+$0xFFFFFFF0];
	v4 =	vimm.f32 $0.0e+00;
	v6 =	vimm.f32 $0.0e+00;
	v5 =	vimm.f32 $0.0e+00  }
0x48: {  	v34 =	vld [tilespmem:s23+$0x0];
	v8 =	vmul.f32 v1, v3;
	v2 =	vadd.f32 v1, v13;
	v1 =	vadd.f32 v3, v13  }
0x49: {  	s10 =	simm.s32 $0x400;
	s9 =	sadd.s32 $0x1, s2;
	v32 =	vld [tilespmem:s23+$0x10];
	v7 =	vimm.f32 $0.0e+00;
	v17 =	vadd.f32 v30, v13;
	v15 =	vadd.f32 v31, v13  }
0x4a: {  	s21 =	smov.u32 s24;
	s8 =	simm.s32 $0x200;
	s25 =	sshrl.u32 s9, $0x1;
	v33 =	vld [tilespmem:s23+$0x20];
	v10 =	vadd.f32 v28, v13;
	v3 =	vadd.f32 v8, v13;
	v8 =	vimm.f32 $0.0e+00  }
.LBB2_4:
0x4b: {  	v35 =	vld [tilespmem:s23+$0x30]  }
0x4c: {  	v36 =	vld [tilespmem:s23+$0x40]  }
0x4d: {  	s25 =	smulhi.u32 $0x92492493, s25;
	v59 =	vld [tilespmem:s23+$0x50]  }
0x4e: {  	v60 =	vld [tilespmem:s23+$0x60];
	v13 =	vadd.f32 v27, v13;
	v9 =	vadd.f32 v24, v9;
	v29 =	vcvt.s32.f32 v29  }
0x4f: {  	s21 =	sadd.s32 $0x400, s21;
	s25 =	sshll.u32 s25, $0x6;
	v26 =	vcvt.s32.f32 v26;
	v30 =	vmul.f32 v30, v34;
	v22 =	vadd.f32 v34, v22  }
0x50: {  	s26 =	rddreg [dreg:$0x6];
	v37 =	vld [tilespmem:s21+$0x0];
	s25 =	sand.u32 $0x3FFFFF00, s25;
	v31 =	vmul.f32 v31, v32;
	v20 =	vadd.f32 v32, v20;
	v23 =	vadd.f32 v33, v23  }
0x51: {  	v61 =	vld [tilespmem:s21+$0xFFFFFFB0];
	s25 =	sadd.s32 s26, s25;
	s26 =	sshra.s32 s8, $0x2;
	v28 =	vmul.f32 v28, v33;
	v14 =	vadd.f32 v35, v14;
	v8 =	vadd.f32 v36, v8  }
0x52: {  	s23 =	sadd.s32 s26, s25;
	v27 =	vmul.f32 v27, v35;
	v6 =	vadd.f32 v59, v6;
	v25 =	vadd.f32 v30, v25;
	v30 =	vld [tilespmem:s21+$0xFFFFFF90]  }
0x53: {  	v24 =	vmul.f32 v24, v36;
	v5 =	vadd.f32 v60, v5;
	v21 =	vadd.f32 v31, v21;
	v31 =	vld [tilespmem:s23+$0x70]  }
0x54: {  	v18 =	vadd.f32 v28, v18;
	v28 =	vld [tilespmem:s21+$0xFFFFFFA0];
	v19 =	vadd.f32 v27, v19  }
0x55: {  	v62 =	vld [tilespmem:s21+$0xFFFFFFC0];
	v27 =	vmul.f32 v29, v59;
	v16 =	vadd.f32 v24, v16;
	v24 =	vmul.f32 v26, v60  }
0x56: {  	p2 =	sne.s32 s10, $0x6000;
	v63 =	vld [tilespmem:s21+$0xFFFFFFD0];
	v11 =	vadd.f32 v29, v11;
	v4 =	vadd.f32 v26, v4;
	v26 =	vcvt.s32.f32 v37  }
.Ltmp3:
0x57: {  	v34 =	vld [tilespmem:s23+$0x0];
	v12 =	vadd.f32 v27, v12;
	v7 =	vadd.f32 v24, v7;
	(pc) =	sbr.rel @p2 .LBB2_4-.Ltmp3, $4  }
0x58: {  	v32 =	vld [tilespmem:s23+$0x10];
	v2 =	vadd.f32 v26, v2;
	v30 =	vcvt.s32.f32 v30;
	v24 =	vmul.f32 v26, v31  }
0x59: {  	v33 =	vld [tilespmem:s23+$0x20];
	v1 =	vadd.f32 v31, v1;
	v31 =	vcvt.s32.f32 v28;
	v28 =	vcvt.s32.f32 v61  }
0x5a: {  	s9 =	sadd.s32 $0x1, s9;
	v29 =	vld [tilespmem:s21+$0xFFFFFFE0];
	v27 =	vcvt.s32.f32 v62;
	v17 =	vadd.f32 v30, v17;
	v3 =	vadd.f32 v24, v3  }
0x5b: {  	s8 =	smov.u32 s10;
	s10 =	sadd.s32 $0x200, s10;
	s25 =	sshrl.u32 s9, $0x1;
	v26 =	vld [tilespmem:s21+$0xFFFFFFF0];
	v15 =	vadd.f32 v31, v15;
	v10 =	vadd.f32 v28, v10;
	v24 =	vcvt.s32.f32 v63  }
0x5c: {  	v35 =	vld [tilespmem:s23+$0x30]  }
0x5d: {  	v36 =	vld [tilespmem:s23+$0x40]  }
0x5e: {  	v37 =	vld [tilespmem:s23+$0x50]  }
0x5f: {  	v38 =	vld [tilespmem:s23+$0x60];
	s21 =	sadd.s32 $0x400, s21  }
0x60: {  	v39 =	vld [tilespmem:s21+$0x0]  }
0x61: {  	v40 =	vld [tilespmem:s21+$0xFFFFFF90]  }
0x62: {  	s9 =	smulhi.u32 $0x92492493, s25;
	v42 =	vld [tilespmem:s21+$0xFFFFFFA0]  }
0x63: {  	v43 =	vld [tilespmem:s21+$0xFFFFFFB0]  }
0x64: {  	v44 =	vld [tilespmem:s21+$0xFFFFFFC0];
	s9 =	sshll.u32 s9, $0x6  }
0x65: {  	s10 =	rddreg [dreg:$0x6];
	v45 =	vld [tilespmem:s21+$0xFFFFFFD0];
	s9 =	sand.u32 $0x3FFFFF00, s9  }
0x66: {  	s8 =	sshra.s32 s8, $0x2;
	v47 =	vld [tilespmem:s21+$0xFFFFFFE0];
	s9 =	sadd.s32 s10, s9  }
0x67: {  	v48 =	vld [tilespmem:s21+$0xFFFFFFF0];
	s8 =	sadd.s32 s8, s9  }
0x68: {  	v41 =	vld [tilespmem:s8+$0x70]  }
0x69: {  	v46 =	vld [tilespmem:s8+$0x0]  }
0x6a: {  	v31 =	vmul.f32 v31, v32;
	v49 =	vld [tilespmem:s8+$0x10]  }
0x6b: {  	v13 =	vadd.f32 v27, v13;
	v28 =	vmul.f32 v28, v33;
	v40 =	vcvt.s32.f32 v40;
	v57 =	vld [tilespmem:s8+$0x20]  }
0x6c: {  	v21 =	vadd.f32 v31, v21;
	v62 =	vmul.f32 v27, v35;
	v58 =	vld [tilespmem:s8+$0x30];
	v59 =	vcvt.s32.f32 v42  }
0x6d: {  	v18 =	vadd.f32 v28, v18;
	v60 =	vld [tilespmem:s8+$0x40];
	v63 =	vcvt.s32.f32 v43;
	v17 =	vadd.f32 v40, v17  }
0x6e: {  	v31 =	vld [tilespmem:s8+$0x50];
	v44 =	vcvt.s32.f32 v44;
	v28 =	vadd.f32 v62, v19;
	v15 =	vadd.f32 v59, v15  }
0x6f: {  	v62 =	vcvt.s32.f32 v39;
	v10 =	vadd.f32 v63, v10;
	v50 =	vmul.f32 v40, v46;
	v40 =	vld [tilespmem:s8+$0x60];
	[tilespmem:$0x10080] =	vst v17  }
0x70: {  	v22 =	vadd.f32 v34, v22;
	v13 =	vadd.f32 v44, v13;
	[tilespmem:$0x10090] =	vst v15  }
0x71: {  	v20 =	vadd.f32 v32, v20;
	v2 =	vadd.f32 v62, v2;
	[tilespmem:$0x100A0] =	vst v10  }
0x72: {  	v23 =	vadd.f32 v33, v23;
	v22 =	vadd.f32 v46, v22;
	[tilespmem:$0x100B0] =	vst v13  }
0x73: {  	v14 =	vadd.f32 v35, v14;
	v20 =	vadd.f32 v49, v20;
	[tilespmem:$0x100F0] =	vst v2  }
0x74: {  	v8 =	vadd.f32 v36, v8;
	v23 =	vadd.f32 v57, v23;
	[tilespmem:$0x10100] =	vst v22  }
0x75: {  	v30 =	vmul.f32 v30, v34;
	v6 =	vadd.f32 v37, v6;
	v14 =	vadd.f32 v58, v14;
	[tilespmem:$0x10110] =	vst v20  }
0x76: {  	v8 =	vadd.f32 v60, v8;
	[tilespmem:$0x10120] =	vst v23  }
0x77: {  	v25 =	vadd.f32 v30, v25;
	v43 =	vcvt.s32.f32 v29;
	v6 =	vadd.f32 v31, v6;
	[tilespmem:$0x10130] =	vst v14  }
0x78: {  	v54 =	vcvt.s32.f32 v47;
	v61 =	vmul.f32 v59, v49;
	v1 =	vadd.f32 v41, v1;
	[tilespmem:$0x10140] =	vst v8  }
0x79: {  	v53 =	vmul.f32 v43, v37;
	v33 =	vmul.f32 v63, v57;
	v25 =	vadd.f32 v50, v25;
	[tilespmem:$0x10150] =	vst v6  }
0x7a: {  	v55 =	vcvt.s32.f32 v26;
	v46 =	vmul.f32 v44, v58;
	v21 =	vadd.f32 v61, v21;
	[tilespmem:$0x10170] =	vst v1  }
0x7b: {  	v12 =	vadd.f32 v53, v12;
	v56 =	vmul.f32 v54, v31;
	v18 =	vadd.f32 v33, v18;
	[tilespmem:$0x10000] =	vst v25  }
0x7c: {  	v4 =	vadd.f32 v55, v4;
	v58 =	vcvt.s32.f32 v48;
	v15 =	vadd.f32 v46, v28;
	[tilespmem:$0x10010] =	vst v21  }
0x7d: {  	v63 =	vmul.f32 v62, v41;
	v59 =	vadd.f32 v56, v12;
	[tilespmem:$0x10020] =	vst v18  }
0x7e: {  	v9 =	vadd.f32 v24, v9;
	v50 =	vcvt.s32.f32 v45;
	v4 =	vadd.f32 v58, v4;
	[tilespmem:$0x10030] =	vst v15  }
0x7f: {  	v11 =	vadd.f32 v43, v11;
	v49 =	vmul.f32 v24, v36;
	v3 =	vadd.f32 v63, v3;
	[tilespmem:$0x10050] =	vst v59  }
0x80: {  	v5 =	vadd.f32 v38, v5;
	v57 =	vmul.f32 v55, v38;
	v9 =	vadd.f32 v50, v9;
	[tilespmem:$0x100E0] =	vst v4  }
0x81: {  	v51 =	vadd.f32 v49, v16;
	v52 =	vmul.f32 v50, v60;
	v60 =	vadd.f32 v54, v11;
	[tilespmem:$0x10070] =	vst v3  }
0x82: {  	v7 =	vadd.f32 v57, v7;
	v61 =	vmul.f32 v58, v40;
	v5 =	vadd.f32 v40, v5;
	[tilespmem:$0x100C0] =	vst v9  }
0x83: {  	v10 =	vadd.f32 v52, v51;
	[tilespmem:$0x100D0] =	vst v60  }
0x84: {  	v7 =	vadd.f32 v61, v7;
	[tilespmem:$0x10160] =	vst v5  }
0x85: {  	[tilespmem:$0x10040] =	vst v10  }
0x86: {  	[tilespmem:$0x10060] =	vst v7  }
0x87: {  	[spmem:s6] =	stream.linear.scatter [tilespmem:s0], [sflag:$0x3], $0x400, $0x38;
	[tilespmem:$0x120C0] =	vst v63  }
.Ltmp4:
0x88: {  	_ =	swait.ge [sflag:s1], $0x400;
	(pc) =	sbr.rel @!p1 .LBB2_6-.Ltmp4, $3  }
0x89: {  	[sflag:s1] =	ssyncset.done $0x0  }
0x8a: {  	[sflag:s1] =	ssyncadd.s32 $0xFFFFFC00  }
0x8b: {  	[bflag:$0x0] =	sbarrier.arrive $0xFFFF;
	_ =	sdelay $0x1  }
0x8c: {  	s8 =	simm.s32 $0x10800  }
0x8d: {  	[tilespmem:s8], [sflag:$0x3] =	stream.linear.gather [spmem:s6], $0x400, $0x38;
	[tilespmem:$0x120C0] =	vst v63  }
0x8e: {  	_ =	swait.ge [sflag:s1], $0x400  }
0x8f: {  	[sflag:s1] =	ssyncset.done $0x0  }
0x90: {  	s9 =	simm.s32 $0x10C00;
	s23 =	rddreg [dreg:$0x7];
	[sflag:s1] =	ssyncadd.s32 $0xFFFFFC00  }
0x91: {  	[tilespmem:s9], [sflag:$0x3] =	stream.linear.gather [spmem:s23], $0x400, $0x38;
	[tilespmem:$0x120C0] =	vst v63  }
0x92: {  	_ =	swait.ge [sflag:s1], $0x400  }
0x93: {  	[sflag:s1] =	ssyncset.done $0x0  }
0x94: {  	s26 =	simm.s32 $0x11000;
	s25 =	rddreg [dreg:$0x8];
	[sflag:s1] =	ssyncadd.s32 $0xFFFFFC00  }
0x95: {  	[tilespmem:s26], [sflag:$0x3] =	stream.linear.gather [spmem:s25], $0x400, $0x38;
	[tilespmem:$0x120C0] =	vst v63  }
0x96: {  	_ =	swait.ge [sflag:s1], $0x400  }
0x97: {  	[sflag:s1] =	ssyncset.done $0x0  }
0x98: {  	s21 =	simm.s32 $0x11400;
	s10 =	rddreg [dreg:$0x9];
	[sflag:s1] =	ssyncadd.s32 $0xFFFFFC00  }
0x99: {  	[tilespmem:s21], [sflag:$0x3] =	stream.linear.gather [spmem:s10], $0x400, $0x38;
	[tilespmem:$0x120C0] =	vst v63  }
0x9a: {  	_ =	swait.ge [sflag:s1], $0x400  }
0x9b: {  	[sflag:s1] =	ssyncset.done $0x0  }
0x9c: {  	s23 =	simm.s32 $0x0;
	[sflag:s1] =	ssyncadd.s32 $0xFFFFFC00  }
0x9d: {  	v1 =	vld [tilespmem:s23+$0x10880];
	_ =	sdelay $0x1  }
0x9e: {  	v2 =	vld [tilespmem:s23+$0x10C80];
	_ =	sdelay $0x1  }
0x9f: {  	v3 =	vld [tilespmem:s23+$0x11080]  }
0xa0: {  	v1 =	vadd.f32 $0.0e+00, v1  }
0xa1: {  	v4 =	vld [tilespmem:s23+$0x11480]  }
0xa2: {  	v1 =	vadd.f32 v2, v1;
	_ =	sdelay $0x1  }
0xa3: {  	v2 =	vld [tilespmem:s23+$0x10900];
	v1 =	vadd.f32 v3, v1  }
0xa4: {  	v3 =	vld [tilespmem:s23+$0x10800]  }
0xa5: {  	v5 =	vld [tilespmem:s23+$0x10D00];
	v1 =	vadd.f32 v4, v1  }
0xa6: {  	v4 =	vld [tilespmem:s23+$0x10C00]  }
0xa7: {  	v6 =	vld [tilespmem:s23+$0x11000];
	v7 =	vsub.f32 $1.960000000e+02, v1  }
0xa8: {  	(erf) = vrcp.f32 v1;
	v1 =	vld [tilespmem:s23+$0x11100]  }
0xa9: {  	v8 =	vld [tilespmem:s23+$0x11500];
	v2 =	vadd.f32 $0.0e+00, v2;
	v3 =	vadd.f32 $0.0e+00, v3;
	(erf) = vrcp.f32 v7  }
0xaa: {  	v7 =	vld [tilespmem:s23+$0x11400]  }
0xab: {  	v2 =	vadd.f32 v5, v2;
	v3 =	vadd.f32 v4, v3;
	_ =	sdelay $0x1  }
0xac: {  	s25 =	simm.s32 $0x10;
	v3 =	vadd.f32 v6, v3;
	v1 =	vadd.f32 v1, v2  }
0xad: {  	v2 =	vld [tilespmem:s25+$0x10880]  }
0xae: {  	v3 =	vadd.f32 v7, v3;
	v1 =	vadd.f32 v8, v1  }
0xaf: {  	v4 =	vld [tilespmem:s25+$0x10C80]  }
0xb0: {  	v5 =	vpop (erf);
	v1 =	vsub.f32 v1, v3  }
0xb1: {  	v7 =	vld [tilespmem:s25+$0x11080];
	v6 =	vpop (erf)  }
0xb2: {  	v2 =	vadd.f32 $0.0e+00, v2;
	v1 =	vmul.f32 v6, v1  }
0xb3: {  	v6 =	vld [tilespmem:s25+$0x11480]  }
0xb4: {  	v2 =	vadd.f32 v4, v2;
	v4 =	vsub.f32 $1.000000000e+00, v1  }
0xb5: {  	v1 =	vmul.f32 v5, v3  }
0xb6: {  	v2 =	vadd.f32 v7, v2;
	v3 =	vand.u32 $0x7FFFFF, v4  }
0xb7: {  	v5 =	vand.u32 $0x7FFFFF, v1;
	v3 =	vor.u32 $0x3F800000, v3  }
0xb8: {  	v5 =	vor.u32 $0x3F800000, v5;
	v2 =	vadd.f32 v6, v2;
	v6 =	vmul.f32 $5.000000000e-01, v3  }
0xb9: {  	v7 =	vld [tilespmem:s25+$0x10800];
	v8 =	vmul.f32 $5.000000000e-01, v5;
	vm0 =	vgt.f32 v3, $1.414213540e+00  }
0xba: {  	vm1 =	vgt.f32 v5, $1.414213540e+00;
	v9 =	vsub.f32 $1.960000000e+02, v2;
	v6 =	vsel vm0, v6, v3  }
0xbb: {  	(erf) = vrcp.f32 v2;
	v3 =	vld [tilespmem:s25+$0x10C00];
	v5 =	vsel vm1, v8, v5;
	v2 =	vadd.f32 $1.000000000e+00, v6  }
0xbc: {  	v11 =	vshrl.u32 v1, $0x17;
	v8 =	vadd.f32 $1.000000000e+00, v5;
	(erf) = vrcp.f32 v9  }
0xbd: {  	v11 =	vand.u32 $0xFF, v11;
	v9 =	vld [tilespmem:s25+$0x11000];
	(erf) = vrcp.f32 v2  }
0xbe: {  	v11 =	vadd.s32 $0xFFFFFF81, v11;
	v7 =	vadd.f32 $0.0e+00, v7;
	v2 =	vld [tilespmem:s25+$0x10900];
	(erf) = vrcp.f32 v8  }
0xbf: {  	v11 =	vcvt.s32.f32 v11;
	v8 =	vld [tilespmem:s25+$0x11400]  }
0xc0: {  	s26 =	simm.s32 $0x20;
	v10 =	vld [tilespmem:s25+$0x10D00];
	v14 =	vsel vm1, $0x3F800000, v0;
	v7 =	vadd.f32 v3, v7  }
0xc1: {  	v12 =	vshrl.u32 v4, $0x17;
	v11 =	vadd.f32 v11, v14;
	v14 =	vld [tilespmem:s26+$0x10800]  }
0xc2: {  	v12 =	vand.u32 $0xFF, v12;
	v7 =	vadd.f32 v9, v7;
	v9 =	vld [tilespmem:s25+$0x11100]  }
0xc3: {  	v12 =	vadd.s32 $0xFFFFFF81, v12;
	v2 =	vadd.f32 $0.0e+00, v2  }
0xc4: {  	v20 =	vld [tilespmem:s26+$0x10C00];
	v12 =	vcvt.s32.f32 v12;
	v7 =	vadd.f32 v8, v7;
	v8 =	vpop (erf)  }
0xc5: {  	v13 =	vld [tilespmem:s25+$0x11500];
	vm1 =	vgt.f32 v1, $0.0e+00;
	v6 =	vadd.f32 $-1.000000000e+00, v6;
	v10 =	vadd.f32 v10, v2;
	v15 =	vpop (erf)  }
0xc6: {  	v5 =	vadd.f32 $-1.000000000e+00, v5;
	v14 =	vadd.f32 $0.0e+00, v14;
	v2 =	vmul.f32 v8, v7;
	v8 =	vpop (erf)  }
0xc7: {  	v9 =	vadd.f32 v9, v10;
	v10 =	vsel vm0, $0x3F800000, v0;
	v6 =	vmul.f32 v8, v6;
	v8 =	vpop (erf)  }
0xc8: {  	vm0 =	veq.f32 v4, $0.0e+00;
	v10 =	vadd.f32 v12, v10;
	v12 =	vld [tilespmem:s26+$0x10880];
	v8 =	vmul.f32 v8, v5  }
0xc9: {  	v62 =	vmul.f32 $6.931471820e-01, v11;
	v11 =	vadd.f32 v20, v14;
	v1 =	vsel vm0, $0x7F7FFFFF, v0  }
0xca: {  	v17 =	vld [tilespmem:s26+$0x10C80];
	v9 =	vadd.f32 v13, v9;
	v13 =	vmul.f32 v6, v6;
	v16 =	vmul.f32 v8, v8  }
0xcb: {  	vm0 =	vgt.f32 v4, $0.0e+00;
	v5 =	vmul.f32 $6.931471820e-01, v10;
	v18 =	vadd.f32 v6, v6  }
0xcc: {  	v8 =	vadd.f32 v8, v8;
	v4 =	vmul.f32 $1.111111120e-01, v13;
	v10 =	vmul.f32 $1.111111120e-01, v16  }
0xcd: {  	v6 =	vld [tilespmem:s26+$0x11080];
	v7 =	vsub.f32 v9, v7;
	v9 =	vadd.f32 $0.0e+00, v12  }
0xce: {  	v19 =	vshrl.u32 v2, $0x17;
	v4 =	vadd.f32 $1.428571490e-01, v4;
	v10 =	vadd.f32 $1.428571490e-01, v10  }
0xcf: {  	v12 =	vand.u32 $0xFF, v19;
	v19 =	vld [tilespmem:s26+$0x11480];
	v7 =	vmul.f32 v15, v7;
	v9 =	vadd.f32 v17, v9  }
0xd0: {  	v15 =	vmul.f32 v4, v13;
	v4 =	vadd.s32 $0xFFFFFF81, v12;
	v10 =	vmul.f32 v10, v16  }
0xd1: {  	v12 =	vand.u32 $0x7FFFFF, v2;
	v17 =	vcvt.s32.f32 v4;
	v4 =	vsub.f32 $1.000000000e+00, v7  }
0xd2: {  	v6 =	vadd.f32 v6, v9;
	v7 =	vor.u32 $0x3F800000, v12;
	v9 =	vadd.f32 $2.000000030e-01, v10  }
0xd3: {  	v15 =	vadd.f32 $2.000000030e-01, v15;
	v10 =	vmul.f32 $5.000000000e-01, v7;
	v12 =	vand.u32 $0x7FFFFF, v4  }
0xd4: {  	v6 =	vadd.f32 v19, v6;
	v12 =	vor.u32 $0x3F800000, v12;
	v19 =	vmul.f32 v9, v16  }
0xd5: {  	v22 =	vld [tilespmem:s26+$0x11000];
	vm3 =	vgt.f32 v7, $1.414213540e+00;
	vm2 =	vgt.f32 v12, $1.414213540e+00;
	v21 =	vmul.f32 $5.000000000e-01, v12  }
0xd6: {  	(erf) = vrcp.f32 v6;
	v9 =	vsel vm3, v10, v7;
	v10 =	vadd.f32 $3.333333430e-01, v19  }
0xd7: {  	v23 =	vsub.f32 $1.960000000e+02, v6;
	v6 =	vmul.f32 v15, v13;
	v15 =	vld [tilespmem:s26+$0x10900];
	v7 =	vsel vm2, v21, v12  }
0xd8: {  	v14 =	vld [tilespmem:s26+$0x11400];
	v12 =	vadd.f32 $1.000000000e+00, v9;
	v19 =	vadd.f32 $1.000000000e+00, v7;
	v16 =	vmul.f32 v10, v16  }
0xd9: {  	(erf) = vrcp.f32 v23;
	v6 =	vadd.f32 $3.333333430e-01, v6;
	v10 =	vadd.f32 $-1.000000000e+00, v7  }
0xda: {  	v63 =	vld [tilespmem:s26+$0x10D00];
	v7 =	vadd.f32 v22, v11;
	(erf) = vrcp.f32 v19;
	v11 =	vadd.f32 $1.000000000e+00, v16  }
0xdb: {  	v6 =	vmul.f32 v6, v13;
	(erf) = vrcp.f32 v12  }
0xdc: {  	v12 =	vadd.f32 $0.0e+00, v15;
	v15 =	vld [tilespmem:s26+$0x11100];
	v16 =	vshrl.u32 v4, $0x17;
	v8 =	vmul.f32 v11, v8  }
0xdd: {  	v3 =	vimm.f32 $0.0e+00;
	v16 =	vand.u32 $0xFF, v16;
	v11 =	vadd.f32 v14, v7  }
0xde: {  	v7 =	vadd.s32 $0xFFFFFF81, v16;
	v14 =	vadd.f32 $1.000000000e+00, v6;
	v19 =	vadd.f32 v8, v62;
	v8 =	vld [tilespmem:s26+$0x11500]  }
0xdf: {  	v13 =	vsel vm3, $0x3F800000, v0;
	v16 =	vadd.f32 v63, v12;
	v6 =	vpop (erf);
	v12 =	vcvt.s32.f32 v7  }
0xe0: {  	v7 =	vmul.f32 v6, v11;
	v6 =	vadd.f32 v17, v13;
	v13 =	vmul.f32 v14, v18  }
0xe1: {  	s23 =	simm.s32 $0xC0;
	v16 =	vadd.f32 v15, v16;
	v15 =	vsel vm2, $0x3F800000, v0;
	v14 =	vsub.f32 $0.0e+00, v19  }
.LBB2_8:
0xe2: {  	s8 =	sshra.s32 s23, $0x2;
	p2 =	sne.s32 s23, $0x1C0;
	s23 =	sadd.s32 $0x40, s23;
	v17 =	vpop (erf);
	v12 =	vadd.f32 v12, v15;
	vm2 =	veq.f32 v4, $0.0e+00;
	v5 =	vadd.f32 v13, v5  }
0xe3: {  	v13 =	vld [tilespmem:s8+$0x10C80];
	v15 =	vadd.f32 v8, v16;
	v8 =	vadd.f32 $-1.000000000e+00, v9;
	v9 =	vpop (erf);
	v14 =	vnsel vm1, $0x7F800000, v14  }
0xe4: {  	v16 =	vld [tilespmem:s8+$0x10D00];
	v9 =	vmul.f32 v9, v10;
	v10 =	vpop (erf);
	v5 =	vsub.f32 $0.0e+00, v5;
	v3 =	vadd.f32 v14, v3  }
0xe5: {  	v14 =	vld [tilespmem:s8+$0x10900];
	v10 =	vmul.f32 v10, v8  }
0xe6: {  	vm1 =	vgt.f32 v2, $0.0e+00;
	v2 =	vmovc v7;
	v18 =	vld [tilespmem:s8+$0x10880];
	v19 =	vmul.f32 v9, v9;
	v5 =	vsel vm0, v5, v1  }
0xe7: {  	v1 =	vsel vm2, $0x7F7FFFFF, v0;
	v7 =	vld [tilespmem:s8+$0x10800];
	v20 =	vmul.f32 v10, v10;
	v3 =	vadd.f32 v5, v3  }
0xe8: {  	vm0 =	vgt.f32 v4, $0.0e+00;
	v5 =	vmul.f32 $6.931471820e-01, v12;
	v8 =	vld [tilespmem:s8+$0x11500];
	v4 =	vmul.f32 $1.111111120e-01, v19  }
0xe9: {  	v23 =	vadd.f32 v9, v9;
	v22 =	vadd.f32 v10, v10;
	v12 =	vld [tilespmem:s8+$0x11480];
	v21 =	vmul.f32 $1.111111120e-01, v20  }
0xea: {  	v11 =	vsub.f32 v15, v11;
	v10 =	vshrl.u32 v2, $0x17;
	v9 =	vld [tilespmem:s8+$0x11080];
	v4 =	vadd.f32 $1.428571490e-01, v4  }
0xeb: {  	v10 =	vand.u32 $0xFF, v10;
	v15 =	vadd.f32 $0.0e+00, v18;
	v18 =	vadd.f32 $1.428571490e-01, v21  }
0xec: {  	v11 =	vmul.f32 v17, v11;
	v7 =	vadd.f32 $0.0e+00, v7;
	v17 =	vmul.f32 v4, v19  }
0xed: {  	v4 =	vadd.s32 $0xFFFFFF81, v10;
	v13 =	vadd.f32 v13, v15;
	v10 =	vmul.f32 v18, v20  }
0xee: {  	v15 =	vand.u32 $0x7FFFFF, v2;
	v18 =	vcvt.s32.f32 v4;
	v4 =	vsub.f32 $1.000000000e+00, v11  }
0xef: {  	v11 =	vor.u32 $0x3F800000, v15;
	v9 =	vadd.f32 v9, v13;
	v10 =	vadd.f32 $2.000000030e-01, v10  }
0xf0: {  	v17 =	vadd.f32 $2.000000030e-01, v17;
	v13 =	vmul.f32 $5.000000000e-01, v11;
	v15 =	vand.u32 $0x7FFFFF, v4  }
0xf1: {  	v21 =	vld [tilespmem:s8+$0x10C00];
	v9 =	vadd.f32 v12, v9;
	v12 =	vor.u32 $0x3F800000, v15;
	v10 =	vmul.f32 v10, v20  }
0xf2: {  	vm3 =	vgt.f32 v11, $1.414213540e+00;
	vm2 =	vgt.f32 v12, $1.414213540e+00;
	v15 =	vmul.f32 $5.000000000e-01, v12  }
0xf3: {  	v17 =	vmul.f32 v17, v19;
	v24 =	vld [tilespmem:s8+$0x11000];
	v25 =	vsub.f32 $1.960000000e+02, v9;
	(erf) = vrcp.f32 v9  }
0xf4: {  	v9 =	vsel vm3, v13, v11;
	v10 =	vadd.f32 $3.333333430e-01, v10;
	v11 =	vsel vm2, v15, v12  }
0xf5: {  	v6 =	vmul.f32 $6.931471820e-01, v6;
	v12 =	vadd.f32 $1.000000000e+00, v9;
	v13 =	vadd.f32 $1.000000000e+00, v11  }
0xf6: {  	v20 =	vmul.f32 v10, v20;
	v7 =	vadd.f32 v21, v7;
	v15 =	vld [tilespmem:s8+$0x11400];
	(erf) = vrcp.f32 v25  }
0xf7: {  	v10 =	vadd.f32 $-1.000000000e+00, v11;
	v11 =	vadd.f32 $3.333333430e-01, v17;
	(erf) = vrcp.f32 v13  }
0xf8: {  	v7 =	vadd.f32 v24, v7;
	(erf) = vrcp.f32 v12;
	v12 =	vadd.f32 $1.000000000e+00, v20  }
0xf9: {  	v17 =	vshrl.u32 v4, $0x17;
	v19 =	vmul.f32 v11, v19;
	v24 =	vadd.f32 $0.0e+00, v14;
	v14 =	vld [tilespmem:s8+$0x11100]  }
.Ltmp5:
0xfa: {  	v17 =	vand.u32 $0xFF, v17;
	v20 =	vsel vm3, $0x3F800000, v0;
	v21 =	vmul.f32 v12, v22;
	(pc) =	sbr.rel @p2 .LBB2_8-.Ltmp5, $4  }
0xfb: {  	v11 =	vadd.f32 v15, v7;
	v7 =	vadd.s32 $0xFFFFFF81, v17;
	v15 =	vadd.f32 $1.000000000e+00, v19  }
0xfc: {  	v16 =	vadd.f32 v16, v24;
	v13 =	vpop (erf);
	v12 =	vcvt.s32.f32 v7;
	v17 =	vadd.f32 v21, v6  }
0xfd: {  	v6 =	vadd.f32 v18, v20;
	v7 =	vmul.f32 v13, v11;
	v13 =	vmul.f32 v15, v23  }
0xfe: {  	v15 =	vsel vm2, $0x3F800000, v0;
	v16 =	vadd.f32 v14, v16;
	v14 =	vsub.f32 $0.0e+00, v17  }
0xff: {  	_ = 	snop  }
0x100: {  	v8 =	vadd.f32 v8, v16;
	_ =	sdelay $0x1  }
0x101: {  	v8 =	vsub.f32 v8, v11  }
0x102: {  	v32 =	vpop (erf)  }
0x103: {  	v8 =	vmul.f32 v32, v8;
	_ =	sdelay $0x1  }
0x104: {  	v8 =	vsub.f32 $1.000000000e+00, v8;
	_ =	sdelay $0x1  }
0x105: {  	v33 =	vand.u32 $0x7FFFFF, v8  }
0x106: {  	v34 =	vand.u32 $0x7FFFFF, v7;
	v11 =	vor.u32 $0x3F800000, v33  }
0x107: {  	v16 =	vor.u32 $0x3F800000, v34;
	v17 =	vmul.f32 $5.000000000e-01, v11  }
0x108: {  	v19 =	vmul.f32 $5.000000000e-01, v16;
	vm2 =	vgt.f32 v11, $1.414213540e+00  }
0x109: {  	vm3 =	vgt.f32 v16, $1.414213540e+00;
	v11 =	vsel vm2, v17, v11  }
0x10a: {  	v9 =	vadd.f32 $-1.000000000e+00, v9;
	v18 =	vpop (erf);
	v16 =	vsel vm3, v19, v16;
	v17 =	vadd.f32 $1.000000000e+00, v11  }
0x10b: {  	v20 =	vpop (erf);
	v35 =	vadd.f32 $1.000000000e+00, v16  }
0x10c: {  	v9 =	vmul.f32 v20, v9;
	(erf) = vrcp.f32 v17  }
0x10d: {  	(erf) = vrcp.f32 v35  }
0x10e: {  	v10 =	vmul.f32 v18, v10;
	v36 =	vmul.f32 v9, v9;
	_ =	sdelay $0x1  }
0x10f: {  	v37 =	vmul.f32 v10, v10;
	v38 =	vmul.f32 $1.111111120e-01, v36;
	_ =	sdelay $0x1  }
0x110: {  	v39 =	vmul.f32 $1.111111120e-01, v37;
	v18 =	vadd.f32 $1.428571490e-01, v38;
	_ =	sdelay $0x1  }
0x111: {  	v20 =	vadd.f32 $1.428571490e-01, v39;
	v18 =	vmul.f32 v18, v36  }
0x112: {  	v16 =	vadd.f32 $-1.000000000e+00, v16;
	v21 =	vpop (erf)  }
0x113: {  	v20 =	vmul.f32 v20, v37;
	v18 =	vadd.f32 $2.000000030e-01, v18;
	v22 =	vpop (erf)  }
0x114: {  	v12 =	vadd.f32 v12, v15;
	v11 =	vadd.f32 $-1.000000000e+00, v11;
	v16 =	vmul.f32 v22, v16  }
0x115: {  	v5 =	vadd.f32 v13, v5;
	v20 =	vadd.f32 $2.000000030e-01, v20;
	v18 =	vmul.f32 v18, v36  }
0x116: {  	vm10 =	vgt.f32 v2, $0.0e+00;
	v11 =	vmul.f32 v21, v11;
	v41 =	vmul.f32 v16, v16  }
0x117: {  	v47 =	vshrl.u32 v7, $0x17;
	v14 =	vnsel vm1, $0x7F800000, v14;
	v40 =	vmul.f32 v20, v37  }
0x118: {  	v18 =	vadd.f32 $3.333333430e-01, v18;
	v44 =	vmul.f32 v11, v11;
	v45 =	vmul.f32 $1.111111120e-01, v41  }
0x119: {  	v6 =	vmul.f32 $6.931471820e-01, v6;
	v3 =	vadd.f32 v14, v3;
	v43 =	vadd.f32 $3.333333430e-01, v40  }
0x11a: {  	v42 =	vmul.f32 v18, v36;
	v46 =	vmul.f32 $1.111111120e-01, v44;
	v18 =	vadd.f32 $1.428571490e-01, v45  }
0x11b: {  	v5 =	vsub.f32 $0.0e+00, v5;
	v9 =	vadd.f32 v9, v9;
	v14 =	vmul.f32 v43, v37  }
0x11c: {  	v13 =	vadd.f32 $1.000000000e+00, v42;
	v48 =	vadd.f32 $1.428571490e-01, v46;
	v49 =	vmul.f32 v18, v41  }
0x11d: {  	vm11 =	veq.f32 v4, $0.0e+00;
	v10 =	vadd.f32 v10, v10;
	v14 =	vadd.f32 $1.000000000e+00, v14  }
0x11e: {  	v2 =	vmul.f32 v13, v9;
	v13 =	vmul.f32 v48, v44;
	v17 =	vadd.f32 $2.000000030e-01, v49  }
0x11f: {  	v12 =	vmul.f32 $6.931471820e-01, v12;
	v51 =	vsel vm3, $0x3F800000, v0;
	v10 =	vmul.f32 v14, v10  }
0x120: {  	v9 =	vand.u32 $0xFF, v47;
	v13 =	vadd.f32 $2.000000030e-01, v13;
	v17 =	vmul.f32 v17, v41  }
0x121: {  	v50 =	vshrl.u32 v8, $0x17;
	v53 =	vsel vm2, $0x3F800000, v0;
	v9 =	vadd.s32 $0xFFFFFF81, v9  }
0x122: {  	v54 =	vadd.f32 v10, v12;
	v13 =	vmul.f32 v13, v44;
	v52 =	vadd.f32 $3.333333430e-01, v17  }
0x123: {  	v9 =	vcvt.s32.f32 v9;
	v2 =	vadd.f32 v2, v6;
	v6 =	vand.u32 $0xFF, v50  }
0x124: {  	v6 =	vadd.s32 $0xFFFFFF81, v6;
	v13 =	vadd.f32 $3.333333430e-01, v13;
	v14 =	vmul.f32 v52, v41  }
0x125: {  	v9 =	vadd.f32 v9, v51;
	v6 =	vcvt.s32.f32 v6;
	v2 =	vsub.f32 $0.0e+00, v2  }
0x126: {  	v16 =	vadd.f32 v16, v16;
	v13 =	vmul.f32 v13, v44;
	v14 =	vadd.f32 $1.000000000e+00, v14  }
0x127: {  	v1 =	vsel vm0, v5, v1;
	v55 =	vadd.f32 v11, v11;
	v6 =	vadd.f32 v6, v53  }
0x128: {  	v9 =	vmul.f32 $6.931471820e-01, v9;
	v57 =	vadd.f32 $1.000000000e+00, v13;
	v56 =	vmul.f32 v14, v16  }
0x129: {  	v1 =	vadd.f32 v1, v3;
	v3 =	vsub.f32 $0.0e+00, v54;
	v2 =	vnsel vm10, $0x7F800000, v2  }
0x12a: {  	v58 =	vmul.f32 $6.931471820e-01, v6;
	v60 =	vmul.f32 v57, v55;
	v59 =	vadd.f32 v56, v9  }
0x12b: {  	vm12 =	vgt.f32 v4, $0.0e+00;
	v61 =	vsel vm11, $0x7F7FFFFF, v0;
	v1 =	vadd.f32 v2, v1  }
0x12c: {  	v2 =	vsel vm12, v3, v61;
	v62 =	vadd.f32 v60, v58;
	v3 =	vsub.f32 $0.0e+00, v59  }
0x12d: {  	vm13 =	vgt.f32 v7, $0.0e+00;
	v1 =	vadd.f32 v2, v1  }
0x12e: {  	vm14 =	veq.f32 v8, $0.0e+00;
	v2 =	vnsel vm13, $0x7F800000, v3;
	v3 =	vsub.f32 $0.0e+00, v62  }
0x12f: {  	vm15 =	vgt.f32 v8, $0.0e+00;
	v63 =	vsel vm14, $0x7F7FFFFF, v0;
	v1 =	vadd.f32 v2, v1  }
0x130: {  	v2 =	vsel vm15, v3, v63  }
0x131: {  	v1 =	vadd.f32 v2, v1;
	_ =	sdelay $0x1  }
0x132: {  	v1 =	vmul.f32 $9.765625000e-04, v1;
	_ =	sdelay $0x1  }
0x133: {  	s8 =	simm.s32 $0x11C40;
	[tilespmem:$0x11C40] =	vst v1  }
0x134: {  	[spmem:s11] =	stream.linear.scatter [tilespmem:s8], [sflag:$0x3], $0x10, $0x38;
	[tilespmem:$0x120C0] =	vst v63  }
0x135: {  	_ =	swait.ge [sflag:s1], $0x10  }
0x136: {  	[sflag:s1] =	ssyncset.done $0x0  }
0x137: {  	[sflag:s1] =	ssyncadd.s32 $0xFFFFFFF0  }
0x138: {  	[bflag:$0x0] =	sbarrier.arrive $0xFFFF  }
0x139: {  	s8 =	simm.s32 @!p0 $0x11840;
	s9 =	rddreg [dreg:$0x4]  }
0x13a: {  	[tilespmem:s8], [sflag:$0x3] =	stream.linear.gather @!p0 [spmem:s9], $0x400, $0x38;
	[tilespmem:$0x120C0] =	vst v63  }
0x13b: {  	s8 =	simm.s32 @!p0 $0x3  }
0x13c: {  	_ =	swait.ge @!p0 [sflag:s8], $0x400  }
0x13d: {  	[sflag:s8] =	ssyncset.done @!p0 $0x0  }
0x13e: {  	[sflag:s8] =	ssyncadd.s32 @!p0 $0xFFFFFC00  }
0x13f: {  	v1 =	vld @!p0 [tilespmem:$0x11840]  }
0x140: {  	v2 =	vld @!p0 [tilespmem:$0x118C0];
	_ =	sdelay $0x1  }
0x141: {  	v3 =	vld @!p0 [tilespmem:$0x11940];
	_ =	sdelay $0x1  }
0x142: {  	v5 =	vimm.s32 @!p0 $0xFEDCBA98;
	v4 =	vld @!p0 [tilespmem:$0x119C0]  }
0x143: {  	v5 =	vunpack.c.l.s4.s8 @!p0 v5;
	v1 =	vadd.f32 @!p0 v2, v1;
	v2 =	vimm.s32 @!p0 $0x76543210  }
0x144: {  	v2 =	vunpack.c.l.s4.s8 @!p0 v2  }
0x145: {  	v1 =	vadd.f32 @!p0 v3, v1;
	v3 =	vunpack.c.0.s8.s32 @!p0 v5  }
0x146: {  	v2 =	vunpack.c.0.s8.s32 @!p0 v2  }
0x147: {  	v1 =	vadd.f32 @!p0 v4, v1;
	v3 =	vand.u32 @!p0 $0xF, v3  }
0x148: {  	v4 =	vimm.s32 @!p0 $0xBA987654;
	v2 =	vcombine.low @!p0 v3, v2;
	v3 =	vimm.s32 @!p0 $0x3210FEDC  }
0x149: {  	v4 =	vunpack.c.l.s4.s8 @!p0 v4;
	v3 =	vunpack.c.l.s4.s8 @!p0 v3  }
0x14a: {  	v2 =	vperm.xlane @!p0 v1, v2  }
0x14b: {  	v4 =	vunpack.c.0.s8.s32 @!p0 v4;
	v3 =	vunpack.c.0.s8.s32 @!p0 v3  }
0x14c: {  	v1 =	vadd.f32 @!p0 v2, v1  }
0x14d: {  	v2 =	vcombine.low @!p0 v4, v3;
	v3 =	vimm.s32 @!p0 $0x10FEDCBA;
	v4 =	vimm.s32 @!p0 $0x98765432  }
0x14e: {  	v3 =	vunpack.c.l.s4.s8 @!p0 v3;
	v4 =	vunpack.c.l.s4.s8 @!p0 v4  }
0x14f: {  	v2 =	vperm.xlane @!p0 v1, v2  }
0x150: {  	v3 =	vunpack.c.0.s8.s32 @!p0 v3;
	v4 =	vunpack.c.0.s8.s32 @!p0 v4  }
0x151: {  	v5 =	vimm.s32 @!p0 $0x87654321;
	v1 =	vadd.f32 @!p0 v2, v1;
	v2 =	vimm.s32 @!p0 $0xFEDCBA9  }
0x152: {  	v3 =	vcombine.low @!p0 v4, v3;
	v2 =	vunpack.c.l.s4.s8 @!p0 v2;
	v4 =	vunpack.c.l.s4.s8 @!p0 v5;
	_ =	sdelay $0x1  }
0x153: {  	v3 =	vperm.xlane @!p0 v1, v3;
	v2 =	vunpack.c.0.s8.s32 @!p0 v2;
	v4 =	vunpack.c.0.s8.s32 @!p0 v4;
	_ =	sdelay $0x1  }
0x154: {  	v1 =	vadd.f32 @!p0 v3, v1;
	v2 =	vcombine.low @!p0 v4, v2;
	_ =	sdelay $0x1  }
0x155: {  	v2 =	vperm.xlane @!p0 v1, v2;
	_ =	sdelay $0x1  }
0x156: {  	v1 =	vadd.f32 @!p0 v2, v1;
	_ =	sdelay $0x1  }
.Ltmp6:
0x157: {  	s10 =	simm.s32 @!p0 $0x11CC0;
	s9 =	simm.s32 @!p0 $0x0;
	[tilespmem:$0x11CC0] =	vst @!p0 v1;
	(pc) =	sbr.rel .LBB2_10-.Ltmp6, $4  }
0x158: {  	[hbm4b:s12+s9] =	stream.linear.scatter @!p0 [tilespmem:s10], [sflag:$0x3], $0x400, $0x38;
	[tilespmem:$0x120C0] =	vst v63  }
0x159: {  	_ =	swait.ge @!p0 [sflag:s8], $0x400  }
0x15a: {  	[sflag:s8] =	ssyncset.done @!p0 $0x0  }
0x15b: {  	[sflag:s8] =	ssyncadd.s32 @!p0 $0xFFFFFC00  }
.LBB2_11:
0x15c: {  	_ =	sfence.sel $0x180000  }
0x15d: {  	[bflag:$0x0] =	sbarrier.arrive $0xFFFF  }
0x15e: {  	_ =	strace $0x90000047  }
0x15f: {  	[bflag:$0x2] =	sbarrier.arrive $0xFFFF  }
0x160: {  	s0 =	rddreg [dreg:$0x5]  }
0x161: {  	s0 =	sadd.s32 @!p0 $0x100000, s0  }
0x162: {  	[sflag:s0] =	ssyncadd.tile.s32 @!p0 $0x1;
	_ =	shalt  }
.Lfunc_end2:
_tile_overlayer_lowered:
.L_overlay_start_2:
0x163: {  	(tag) =	ssettag $0x2  }
0x164: {  	s0 =	rddreg [dreg:$0x0];
	s2 =	stileid.u32  }
0x165: {  	s1 =	rddreg [dreg:$0x1];
	p0 =	sne.s32 s2, $0x0  }
0x166: {  	s3 =	rddreg [dreg:$0x2];
	[bflag:$0x3] =	sbarrier.arrive $0xFFFF;
	s2 =	simm.s32 @!p0 $0x1C03  }
0x167: {  	[timem:s3], [sflag:s2] =	dma.local @!p0 [hbm:s0], s1  }
0x168: {  	s0 =	simm.s32 @!p0 $0x3  }
0x169: {  	_ =	swait.ge @!p0 [sflag:s0], s1  }
0x16a: {  	s1 =	ssub.s32 @!p0 $0x0, s1;
	[sflag:s0] =	ssyncset.done @!p0 $0x0  }
0x16b: {  	[sflag:s0] =	ssyncadd.s32 @!p0 s1  }
0x16c: {  	[bflag:$0x3] =	sbarrier.arrive $0xFFFF  }
0x16d: {  	_ =	shalt  }

</sc_bundles>
